<compile_context>
chip_gen: v7x
topology: tpu7x:2x2x1
jax: 0.10.2.dev20260603
libtpu: 0.0.44.dev20260713+nightly
codegen_flags: <defaults>
</compile_context>

<pallas_src>
import functools

import jax
import jax.numpy as jnp
from jax import lax
from jax.experimental import pallas as pl
from jax.experimental.pallas import tpu as pltpu


def _suppress_kernel(thresh_ref, x1_ref, y1_ref, x2_ref, y2_ref, area_ref,
                     sup_ref, acc_ref, *, n_real: int, rows: int):
    q_rows = rows // 4
    lane_f = lax.broadcasted_iota(jnp.int32, (rows, 128), 1)
    row_f = lax.broadcasted_iota(jnp.int32, (rows, 128), 0)
    pos_f = row_f * 128 + lane_f
    acc_ref[:, :] = jnp.where(pos_f >= n_real, 1.0, 0.0)
    thresh = thresh_ref[0, 0]
    lane1 = lax.broadcasted_iota(jnp.int32, (1, 128), 1)
    lane_q = lax.broadcasted_iota(jnp.int32, (q_rows, 128), 1)
    row_q = lax.broadcasted_iota(jnp.int32, (q_rows, 128), 0)

    for qa in range(4):
        posq_own = (qa * q_rows + row_q) * 128 + lane_q

        def row_body(rr, carry, qa=qa, posq_own=posq_own):
            r = qa * q_rows + rr
            x1r = x1_ref[pl.ds(r, 1), :]
            y1r = y1_ref[pl.ds(r, 1), :]
            x2r = x2_ref[pl.ds(r, 1), :]
            y2r = y2_ref[pl.ds(r, 1), :]
            arear = area_ref[pl.ds(r, 1), :]
            srow0 = acc_ref[pl.ds(r, 1), :]

            def lane_body(l, srow):
                onehot = lane1 == l
                s_i = jnp.max(jnp.where(onehot, srow, 0.0), axis=1,
                              keepdims=True)
                keep_b = s_i < 0.5
                x1_i = jnp.sum(jnp.where(onehot, x1r, 0.0), axis=1,
                               keepdims=True)
                y1_i = jnp.sum(jnp.where(onehot, y1r, 0.0), axis=1,
                               keepdims=True)
                x2_i = jnp.sum(jnp.where(onehot, x2r, 0.0), axis=1,
                               keepdims=True)
                y2_i = jnp.sum(jnp.where(onehot, y2r, 0.0), axis=1,
                               keepdims=True)
                area_i = (x2_i - x1_i) * (y2_i - y1_i)
                i = r * 128 + l
                rxx1 = jnp.maximum(x1_i, x1r)
                ryy1 = jnp.maximum(y1_i, y1r)
                rxx2 = jnp.minimum(x2_i, x2r)
                ryy2 = jnp.minimum(y2_i, y2r)
                rw = jnp.maximum(rxx2 - rxx1, 0.0)
                rh = jnp.maximum(ryy2 - ryy1, 0.0)
                rinter = rw * rh
                riou = rinter / (area_i + arear - rinter)
                rhit = (riou > thresh) & (lane1 > l) & keep_b
                srow_new = jnp.where(rhit, 1.0, srow)
                for q in range(qa, 4):
                    r0 = q * q_rows
                    x1c = x1_ref[r0:r0 + q_rows, :]
                    y1c = y1_ref[r0:r0 + q_rows, :]
                    x2c = x2_ref[r0:r0 + q_rows, :]
                    y2c = y2_ref[r0:r0 + q_rows, :]
                    areac = area_ref[r0:r0 + q_rows, :]
                    xx1 = jnp.maximum(x1_i, x1c)
                    yy1 = jnp.maximum(y1_i, y1c)
                    xx2 = jnp.minimum(x2_i, x2c)
                    yy2 = jnp.minimum(y2_i, y2c)
                    w = jnp.maximum(xx2 - xx1, 0.0)
                    h = jnp.maximum(yy2 - yy1, 0.0)
                    inter = w * h
                    iou = inter / (area_i + areac - inter)
                    hit = (iou > thresh) & keep_b
                    if q == qa:
                        hit = hit & (posq_own > i)
                    acc_ref[r0:r0 + q_rows, :] = jnp.where(
                        hit, 1.0, acc_ref[r0:r0 + q_rows, :])
                return srow_new

            srow_fin = lax.fori_loop(0, 128, lane_body, srow0)
            acc_ref[pl.ds(r, 1), :] = srow_fin
            return carry

        lax.fori_loop(0, q_rows, row_body, 0)

    sup_ref[:, :] = acc_ref[:, :]


def kernel(preds, thresh, max_proposals):
    n = preds.shape[0]
    npad = ((n + 1023) // 1024) * 1024
    rows = npad // 128

    scores = preds[:, 4]
    order = jnp.argsort(-scores)
    b = preds[order]
    coords = jnp.zeros((npad, 4), jnp.float32).at[:n].set(b[:, :4])
    x1 = coords[:, 0].reshape(rows, 128)
    y1 = coords[:, 1].reshape(rows, 128)
    x2 = coords[:, 2].reshape(rows, 128)
    y2 = coords[:, 3].reshape(rows, 128)
    areas = (x2 - x1) * (y2 - y1)
    thresh_arr = jnp.asarray(thresh, jnp.float32).reshape(1, 1)

    sup = pl.pallas_call(
        functools.partial(_suppress_kernel, n_real=n, rows=rows),
        out_shape=jax.ShapeDtypeStruct((rows, 128), jnp.float32),
        scratch_shapes=[pltpu.VMEM((rows, 128), jnp.float32)],
    )(thresh_arr, x1, y1, x2, y2, areas)

    supf = sup.reshape(-1)[:n]
    idx = jnp.arange(n, dtype=jnp.int32)
    keys = idx + supf.astype(jnp.int32) * n
    _, sel_pos = lax.top_k(-keys, 1000)
    keep1000 = order[sel_pos].astype(jnp.int32)
    sel = jnp.minimum(jnp.arange(1000), max_proposals - 1)
    keep = keep1000[sel]
    return preds[keep], keep

# --- scband reference (transcript-rebuilt; emitter-appended) ---
"""Pipeline reference for scband-non-max-suppression-83958020702833 (READ-ONLY COPY).

The authoritative reference and input builder live on the scoring server;
editing this copy changes nothing except your own understanding.
"""

import jax, jax.numpy as jnp
import numpy as np


def _nms_keep(preds, thresh):
    """Greedy NMS, faithful to torchvision-style _C.nms.

    Returns all N indices into `preds`: kept indices first (ordered by
    descending confidence), suppressed indices after them.
    """
    boxes = preds[:, :4]
    scores = preds[:, 4]
    N = boxes.shape[0]
    order = jnp.argsort(-scores)
    b = boxes[order]
    x1, y1, x2, y2 = b[:, 0], b[:, 1], b[:, 2], b[:, 3]
    areas = (x2 - x1) * (y2 - y1)
    idx = jnp.arange(N)
    thresh = jnp.asarray(thresh, dtype=jnp.float32)

    def body(i, suppressed):
        xx1 = jnp.maximum(x1[i], x1)
        yy1 = jnp.maximum(y1[i], y1)
        xx2 = jnp.minimum(x2[i], x2)
        yy2 = jnp.minimum(y2[i], y2)
        w = jnp.maximum(xx2 - xx1, 0.0)
        h = jnp.maximum(yy2 - yy1, 0.0)
        inter = w * h
        iou = inter / (areas[i] + areas - inter)
        sup_mask = (iou > thresh) & (idx > i)
        # only an unsuppressed anchor box may suppress others
        return jnp.where(suppressed[i], suppressed, suppressed | sup_mask)

    suppressed = jax.lax.fori_loop(0, N, body, jnp.zeros((N,), dtype=bool))
    keep_pos = jnp.argsort(jnp.where(suppressed, idx + N, idx))
    keep = jnp.asarray(order[keep_pos], dtype=jnp.int32)
    return keep


def setup_inputs(seed: int = 0) -> dict:
    key = jax.random.key(seed)
    k1, k2, k3 = jax.random.split(key, 3)
    N = 20000
    # valid boxes: x2 > x1, y2 > y1, in a ~1024x1024 image
    xy = jax.random.uniform(k1, (N, 2), dtype=jnp.float32) * 992.0
    wh = jax.random.uniform(k2, (N, 2), dtype=jnp.float32) * 96.0 + 4.0
    conf = jax.random.uniform(k3, (N, 1), dtype=jnp.float32)
    preds = jnp.concatenate([xy, xy + wh, conf], axis=1)
    return {"preds": preds, "thresh": jnp.float32(0.5), "max_proposals": 1000}


def reference(preds, thresh, max_proposals=0):
    keep_all = _nms_keep(preds, thresh)
    sel = jnp.minimum(jnp.arange(1000), max_proposals - 1)
    keep = keep_all[sel]
    return (preds[keep], keep)

if __name__ == "__main__":
    import jax
    _d = setup_inputs()
    print(jax.jit(kernel)(*tuple(_d.values())))

</pallas_src>

<mosaic_0001>
module attributes {stable_mosaic.version = 14 : i64} {
  func.func @_suppress_kernel(%arg0: memref<1x1xf32, #tpu.memory_space<vmem>>, %arg1: memref<160x128xf32, #tpu.memory_space<vmem>>, %arg2: memref<160x128xf32, #tpu.memory_space<vmem>>, %arg3: memref<160x128xf32, #tpu.memory_space<vmem>>, %arg4: memref<160x128xf32, #tpu.memory_space<vmem>>, %arg5: memref<160x128xf32, #tpu.memory_space<vmem>>, %arg6: memref<160x128xf32, #tpu.memory_space<vmem>>, %arg7: memref<160x128xf32, #tpu.memory_space<vmem>>) attributes {dimension_semantics = [], scalar_prefetch = 0 : i64, scratch_operands = 1 : i64, tpu.core_type = #tpu.core_type<tc>} {
    %iota3A = tpu.iota {dimensions = array<i32: 1>} : vector<160x128xi32>
    %iota3A_0 = tpu.iota {dimensions = array<i32: 0>} : vector<160x128xi32>
    %mul3A = arith.constant 128 : i32
    %mul3A_1 = vector.broadcast %mul3A : i32 to vector<160x128xi32>
    %mul3A_2 = arith.muli %iota3A_0, %mul3A_1 : vector<160x128xi32>
    %add3A = arith.addi %mul3A_2, %iota3A : vector<160x128xi32>
    %ge3A = arith.constant 20000 : i32
    %ge3A_3 = vector.broadcast %ge3A : i32 to vector<160x128xi32>
    %ge3A_4 = arith.cmpi sge, %add3A, %ge3A_3 : vector<160x128xi32>
    %jit3A = arith.constant 1.000000e+00 : f32
    %jit3A_5 = arith.constant 0.000000e+00 : f32
    %broadcast_in_dim3A = vector.broadcast %jit3A : f32 to vector<160x128xf32>
    %broadcast_in_dim3A_6 = vector.broadcast %jit3A_5 : f32 to vector<160x128xf32>
    %select_n3A = arith.select %ge3A_4, %broadcast_in_dim3A, %broadcast_in_dim3A_6 : vector<160x128xi1>, vector<160x128xf32>
    %swap3A = arith.constant 0 : index
    %swap3A_7 = arith.constant 0 : index
    %swap3A_8 = vector.load %arg7[%swap3A, %swap3A_7] : memref<160x128xf32, #tpu.memory_space<vmem>>, vector<160x128xf32>
    tpu.vector_store %arg7[%swap3A, %swap3A_7], %select_n3A {strides = array<i32>} : memref<160x128xf32, #tpu.memory_space<vmem>>, vector<160x128xf32>,
    %get3A = arith.constant 0 : index
    %get3A_9 = arith.constant 0 : index
    %get3A_10 = vector.load %arg0[%get3A, %get3A_9] : memref<1x1xf32, #tpu.memory_space<vmem>>, vector<1x1xf32>
    %get3A_11 = vector.extract %get3A_10[0, 0] : f32 from vector<1x1xf32>
    %iota3A_12 = tpu.iota {dimensions = array<i32: 1>} : vector<1x128xi32>
    %iota3A_13 = tpu.iota {dimensions = array<i32: 1>} : vector<40x128xi32>
    %iota3A_14 = tpu.iota {dimensions = array<i32: 0>} : vector<40x128xi32>
    %add3A_15 = arith.constant 0 : i32
    %add3A_16 = vector.broadcast %add3A_15 : i32 to vector<40x128xi32>
    %add3A_17 = arith.addi %add3A_16, %iota3A_14 : vector<40x128xi32>
    %mul3A_18 = arith.constant 128 : i32
    %mul3A_19 = vector.broadcast %mul3A_18 : i32 to vector<40x128xi32>
    %mul3A_20 = arith.muli %add3A_17, %mul3A_19 : vector<40x128xi32>
    %add3A_21 = arith.addi %mul3A_20, %iota3A_13 : vector<40x128xi32>
    %scan3A = arith.constant 0 : i32
    %scan3A_22 = arith.constant 40 : i32
    %scan3A_23 = arith.addi %scan3A, %scan3A_22 : i32
    %scan3A_24 = arith.constant 1 : i32
    scf.for %scan3A_68 = %scan3A to %scan3A_23 step %scan3A_24  : i32 {
      %add3A_69 = arith.constant 0 : i32
      %add3A_70 = arith.addi %add3A_69, %scan3A_68 : i32
      %get3A_71 = arith.index_cast %add3A_70 : i32 to index
      %get3A_72 = arith.constant 0 : index
      %get3A_73 = vector.load %arg1[%get3A_71, %get3A_72] : memref<160x128xf32, #tpu.memory_space<vmem>>, vector<1x128xf32>
      %get3A_74 = arith.index_cast %add3A_70 : i32 to index
      %get3A_75 = arith.constant 0 : index
      %get3A_76 = vector.load %arg2[%get3A_74, %get3A_75] : memref<160x128xf32, #tpu.memory_space<vmem>>, vector<1x128xf32>
      %get3A_77 = arith.index_cast %add3A_70 : i32 to index
      %get3A_78 = arith.constant 0 : index
      %get3A_79 = vector.load %arg3[%get3A_77, %get3A_78] : memref<160x128xf32, #tpu.memory_space<vmem>>, vector<1x128xf32>
      %get3A_80 = arith.index_cast %add3A_70 : i32 to index
      %get3A_81 = arith.constant 0 : index
      %get3A_82 = vector.load %arg4[%get3A_80, %get3A_81] : memref<160x128xf32, #tpu.memory_space<vmem>>, vector<1x128xf32>
      %get3A_83 = arith.index_cast %add3A_70 : i32 to index
      %get3A_84 = arith.constant 0 : index
      %get3A_85 = vector.load %arg5[%get3A_83, %get3A_84] : memref<160x128xf32, #tpu.memory_space<vmem>>, vector<1x128xf32>
      %get3A_86 = arith.index_cast %add3A_70 : i32 to index
      %get3A_87 = arith.constant 0 : index
      %get3A_88 = vector.load %arg7[%get3A_86, %get3A_87] : memref<160x128xf32, #tpu.memory_space<vmem>>, vector<1x128xf32>
      %scan3A_89 = arith.constant 0 : i32
      %scan3A_90 = arith.constant 128 : i32
      %scan3A_91 = arith.addi %scan3A_89, %scan3A_90 : i32
      %scan3A_92 = arith.constant 1 : i32
      %scan3A_93 = scf.for %scan3A_98 = %scan3A_89 to %scan3A_91 step %scan3A_92 iter_args(%scan3A_99 = %get3A_88) -> (vector<1x128xf32>)  : i32 {
        %eq3A = vector.broadcast %scan3A_98 : i32 to vector<1x128xi32>
        %eq3A_100 = arith.cmpi eq, %iota3A_12, %eq3A : vector<1x128xi32>
        %jit3A_101 = arith.constant 0.000000e+00 : f32
        %broadcast_in_dim3A_102 = vector.broadcast %jit3A_101 : f32 to vector<1x128xf32>
        %select_n3A_103 = arith.select %eq3A_100, %scan3A_99, %broadcast_in_dim3A_102 : vector<1x128xi1>, vector<1x128xf32>
        %reduce_max3A = arith.constant dense<0xFF800000> : vector<1xf32>
        %reduce_max3A_104 = vector.multi_reduction <maximumf>, %select_n3A_103, %reduce_max3A [1] : vector<1x128xf32> to vector<1xf32>
        %broadcast_in_dim3A_105 = vector.shape_cast %reduce_max3A_104 : vector<1xf32> to vector<1x1xf32>
        %lt3A = arith.constant 5.000000e-01 : f32
        %lt3A_106 = vector.broadcast %lt3A : f32 to vector<1x1xf32>
        %lt3A_107 = arith.cmpf olt, %broadcast_in_dim3A_105, %lt3A_106 : vector<1x1xf32>
        %jit3A_108 = arith.constant 0.000000e+00 : f32
        %broadcast_in_dim3A_109 = vector.broadcast %jit3A_108 : f32 to vector<1x128xf32>
        %select_n3A_110 = arith.select %eq3A_100, %get3A_73, %broadcast_in_dim3A_109 : vector<1x128xi1>, vector<1x128xf32>
        %reduce_sum3A = arith.constant dense<0.000000e+00> : vector<1xf32>
        %reduce_sum3A_111 = vector.multi_reduction <add>, %select_n3A_110, %reduce_sum3A [1] : vector<1x128xf32> to vector<1xf32>
        %broadcast_in_dim3A_112 = vector.shape_cast %reduce_sum3A_111 : vector<1xf32> to vector<1x1xf32>
        %jit3A_113 = arith.constant 0.000000e+00 : f32
        %broadcast_in_dim3A_114 = vector.broadcast %jit3A_113 : f32 to vector<1x128xf32>
        %select_n3A_115 = arith.select %eq3A_100, %get3A_76, %broadcast_in_dim3A_114 : vector<1x128xi1>, vector<1x128xf32>
        %reduce_sum3A_116 = arith.constant dense<0.000000e+00> : vector<1xf32>
        %reduce_sum3A_117 = vector.multi_reduction <add>, %select_n3A_115, %reduce_sum3A_116 [1] : vector<1x128xf32> to vector<1xf32>
        %broadcast_in_dim3A_118 = vector.shape_cast %reduce_sum3A_117 : vector<1xf32> to vector<1x1xf32>
        %jit3A_119 = arith.constant 0.000000e+00 : f32
        %broadcast_in_dim3A_120 = vector.broadcast %jit3A_119 : f32 to vector<1x128xf32>
        %select_n3A_121 = arith.select %eq3A_100, %get3A_79, %broadcast_in_dim3A_120 : vector<1x128xi1>, vector<1x128xf32>
        %reduce_sum3A_122 = arith.constant dense<0.000000e+00> : vector<1xf32>
        %reduce_sum3A_123 = vector.multi_reduction <add>, %select_n3A_121, %reduce_sum3A_122 [1] : vector<1x128xf32> to vector<1xf32>
        %broadcast_in_dim3A_124 = vector.shape_cast %reduce_sum3A_123 : vector<1xf32> to vector<1x1xf32>
        %jit3A_125 = arith.constant 0.000000e+00 : f32
        %broadcast_in_dim3A_126 = vector.broadcast %jit3A_125 : f32 to vector<1x128xf32>
        %select_n3A_127 = arith.select %eq3A_100, %get3A_82, %broadcast_in_dim3A_126 : vector<1x128xi1>, vector<1x128xf32>
        %reduce_sum3A_128 = arith.constant dense<0.000000e+00> : vector<1xf32>
        %reduce_sum3A_129 = vector.multi_reduction <add>, %select_n3A_127, %reduce_sum3A_128 [1] : vector<1x128xf32> to vector<1xf32>
        %broadcast_in_dim3A_130 = vector.shape_cast %reduce_sum3A_129 : vector<1xf32> to vector<1x1xf32>
        %sub3A = arith.subf %broadcast_in_dim3A_124, %broadcast_in_dim3A_112 : vector<1x1xf32>
        %sub3A_131 = arith.subf %broadcast_in_dim3A_130, %broadcast_in_dim3A_118 : vector<1x1xf32>
        %mul3A_132 = arith.mulf %sub3A, %sub3A_131 : vector<1x1xf32>
        %mul3A_133 = arith.constant 128 : i32
        %mul3A_134 = arith.muli %add3A_70, %mul3A_133 : i32
        %add3A_135 = arith.addi %mul3A_134, %scan3A_98 : i32
        %max3A = vector.broadcast %broadcast_in_dim3A_112 : vector<1x1xf32> to vector<1x128xf32>
        %max3A_136 = arith.maximumf %max3A, %get3A_73 : vector<1x128xf32>
        %max3A_137 = vector.broadcast %broadcast_in_dim3A_118 : vector<1x1xf32> to vector<1x128xf32>
        %max3A_138 = arith.maximumf %max3A_137, %get3A_76 : vector<1x128xf32>
        %min3A = vector.broadcast %broadcast_in_dim3A_124 : vector<1x1xf32> to vector<1x128xf32>
        %min3A_139 = arith.minimumf %min3A, %get3A_79 : vector<1x128xf32>
        %min3A_140 = vector.broadcast %broadcast_in_dim3A_130 : vector<1x1xf32> to vector<1x128xf32>
        %min3A_141 = arith.minimumf %min3A_140, %get3A_82 : vector<1x128xf32>
        %sub3A_142 = arith.subf %min3A_139, %max3A_136 : vector<1x128xf32>
        %max3A_143 = arith.constant 0.000000e+00 : f32
        %max3A_144 = vector.broadcast %max3A_143 : f32 to vector<1x128xf32>
        %max3A_145 = arith.maximumf %sub3A_142, %max3A_144 : vector<1x128xf32>
        %sub3A_146 = arith.subf %min3A_141, %max3A_138 : vector<1x128xf32>
        %max3A_147 = arith.constant 0.000000e+00 : f32
        %max3A_148 = vector.broadcast %max3A_147 : f32 to vector<1x128xf32>
        %max3A_149 = arith.maximumf %sub3A_146, %max3A_148 : vector<1x128xf32>
        %mul3A_150 = arith.mulf %max3A_145, %max3A_149 : vector<1x128xf32>
        %add3A_151 = vector.broadcast %mul3A_132 : vector<1x1xf32> to vector<1x128xf32>
        %add3A_152 = arith.addf %add3A_151, %get3A_85 : vector<1x128xf32>
        %sub3A_153 = arith.subf %add3A_152, %mul3A_150 : vector<1x128xf32>
        %div3A = arith.divf %mul3A_150, %sub3A_153 : vector<1x128xf32>
        %gt3A = vector.broadcast %get3A_11 : f32 to vector<1x128xf32>
        %gt3A_154 = arith.cmpf ogt, %div3A, %gt3A : vector<1x128xf32>
        %gt3A_155 = vector.broadcast %scan3A_98 : i32 to vector<1x128xi32>
        %gt3A_156 = arith.cmpi sgt, %iota3A_12, %gt3A_155 : vector<1x128xi32>
        %and3A = arith.andi %gt3A_154, %gt3A_156 : vector<1x128xi1>
        %and3A_157 = vector.broadcast %lt3A_107 : vector<1x1xi1> to vector<1x128xi1>
        %and3A_158 = arith.andi %and3A, %and3A_157 : vector<1x128xi1>
        %jit3A_159 = arith.constant 1.000000e+00 : f32
        %broadcast_in_dim3A_160 = vector.broadcast %jit3A_159 : f32 to vector<1x128xf32>
        %select_n3A_161 = arith.select %and3A_158, %broadcast_in_dim3A_160, %scan3A_99 : vector<1x128xi1>, vector<1x128xf32>
        %get3A_162 = arith.constant 0 : index
        %get3A_163 = arith.constant 0 : index
        %get3A_164 = vector.load %arg1[%get3A_162, %get3A_163] : memref<160x128xf32, #tpu.memory_space<vmem>>, vector<40x128xf32>
        %get3A_165 = arith.constant 0 : index
        %get3A_166 = arith.constant 0 : index
        %get3A_167 = vector.load %arg2[%get3A_165, %get3A_166] : memref<160x128xf32, #tpu.memory_space<vmem>>, vector<40x128xf32>
        %get3A_168 = arith.constant 0 : index
        %get3A_169 = arith.constant 0 : index
        %get3A_170 = vector.load %arg3[%get3A_168, %get3A_169] : memref<160x128xf32, #tpu.memory_space<vmem>>, vector<40x128xf32>
        %get3A_171 = arith.constant 0 : index
        %get3A_172 = arith.constant 0 : index
        %get3A_173 = vector.load %arg4[%get3A_171, %get3A_172] : memref<160x128xf32, #tpu.memory_space<vmem>>, vector<40x128xf32>
        %get3A_174 = arith.constant 0 : index
        %get3A_175 = arith.constant 0 : index
        %get3A_176 = vector.load %arg5[%get3A_174, %get3A_175] : memref<160x128xf32, #tpu.memory_space<vmem>>, vector<40x128xf32>
        %max3A_177 = vector.broadcast %broadcast_in_dim3A_112 : vector<1x1xf32> to vector<40x128xf32>
        %max3A_178 = arith.maximumf %max3A_177, %get3A_164 : vector<40x128xf32>
        %max3A_179 = vector.broadcast %broadcast_in_dim3A_118 : vector<1x1xf32> to vector<40x128xf32>
        %max3A_180 = arith.maximumf %max3A_179, %get3A_167 : vector<40x128xf32>
        %min3A_181 = vector.broadcast %broadcast_in_dim3A_124 : vector<1x1xf32> to vector<40x128xf32>
        %min3A_182 = arith.minimumf %min3A_181, %get3A_170 : vector<40x128xf32>
        %min3A_183 = vector.broadcast %broadcast_in_dim3A_130 : vector<1x1xf32> to vector<40x128xf32>
        %min3A_184 = arith.minimumf %min3A_183, %get3A_173 : vector<40x128xf32>
        %sub3A_185 = arith.subf %min3A_182, %max3A_178 : vector<40x128xf32>
        %max3A_186 = arith.constant 0.000000e+00 : f32
        %max3A_187 = vector.broadcast %max3A_186 : f32 to vector<40x128xf32>
        %max3A_188 = arith.maximumf %sub3A_185, %max3A_187 : vector<40x128xf32>
        %sub3A_189 = arith.subf %min3A_184, %max3A_180 : vector<40x128xf32>
        %max3A_190 = arith.constant 0.000000e+00 : f32
        %max3A_191 = vector.broadcast %max3A_190 : f32 to vector<40x128xf32>
        %max3A_192 = arith.maximumf %sub3A_189, %max3A_191 : vector<40x128xf32>
        %mul3A_193 = arith.mulf %max3A_188, %max3A_192 : vector<40x128xf32>
        %add3A_194 = vector.broadcast %mul3A_132 : vector<1x1xf32> to vector<40x128xf32>
        %add3A_195 = arith.addf %add3A_194, %get3A_176 : vector<40x128xf32>
        %sub3A_196 = arith.subf %add3A_195, %mul3A_193 : vector<40x128xf32>
        %div3A_197 = arith.divf %mul3A_193, %sub3A_196 : vector<40x128xf32>
        %gt3A_198 = vector.broadcast %get3A_11 : f32 to vector<40x128xf32>
        %gt3A_199 = arith.cmpf ogt, %div3A_197, %gt3A_198 : vector<40x128xf32>
        %and3A_200 = vector.broadcast %lt3A_107 : vector<1x1xi1> to vector<40x128xi1>
        %and3A_201 = arith.andi %gt3A_199, %and3A_200 : vector<40x128xi1>
        %gt3A_202 = vector.broadcast %add3A_135 : i32 to vector<40x128xi32>
        %gt3A_203 = arith.cmpi sgt, %add3A_21, %gt3A_202 : vector<40x128xi32>
        %and3A_204 = arith.andi %and3A_201, %gt3A_203 : vector<40x128xi1>
        %get3A_205 = arith.constant 0 : index
        %get3A_206 = arith.constant 0 : index
        %get3A_207 = vector.load %arg7[%get3A_205, %get3A_206] : memref<160x128xf32, #tpu.memory_space<vmem>>, vector<40x128xf32>
        %jit3A_208 = arith.constant 1.000000e+00 : f32
        %broadcast_in_dim3A_209 = vector.broadcast %jit3A_208 : f32 to vector<40x128xf32>
        %select_n3A_210 = arith.select %and3A_204, %broadcast_in_dim3A_209, %get3A_207 : vector<40x128xi1>, vector<40x128xf32>
        %swap3A_211 = arith.constant 0 : index
        %swap3A_212 = arith.constant 0 : index
        %swap3A_213 = vector.load %arg7[%swap3A_211, %swap3A_212] : memref<160x128xf32, #tpu.memory_space<vmem>>, vector<40x128xf32>
        tpu.vector_store %arg7[%swap3A_211, %swap3A_212], %select_n3A_210 {strides = array<i32>} : memref<160x128xf32, #tpu.memory_space<vmem>>, vector<40x128xf32>,
        %get3A_214 = arith.constant 40 : index
        %get3A_215 = arith.constant 0 : index
        %get3A_216 = vector.load %arg1[%get3A_214, %get3A_215] : memref<160x128xf32, #tpu.memory_space<vmem>>, vector<40x128xf32>
        %get3A_217 = arith.constant 40 : index
        %get3A_218 = arith.constant 0 : index
        %get3A_219 = vector.load %arg2[%get3A_217, %get3A_218] : memref<160x128xf32, #tpu.memory_space<vmem>>, vector<40x128xf32>
        %get3A_220 = arith.constant 40 : index
        %get3A_221 = arith.constant 0 : index
        %get3A_222 = vector.load %arg3[%get3A_220, %get3A_221] : memref<160x128xf32, #tpu.memory_space<vmem>>, vector<40x128xf32>
        %get3A_223 = arith.constant 40 : index
        %get3A_224 = arith.constant 0 : index
        %get3A_225 = vector.load %arg4[%get3A_223, %get3A_224] : memref<160x128xf32, #tpu.memory_space<vmem>>, vector<40x128xf32>
        %get3A_226 = arith.constant 40 : index
        %get3A_227 = arith.constant 0 : index
        %get3A_228 = vector.load %arg5[%get3A_226, %get3A_227] : memref<160x128xf32, #tpu.memory_space<vmem>>, vector<40x128xf32>
        %max3A_229 = vector.broadcast %broadcast_in_dim3A_112 : vector<1x1xf32> to vector<40x128xf32>
        %max3A_230 = arith.maximumf %max3A_229, %get3A_216 : vector<40x128xf32>
        %max3A_231 = vector.broadcast %broadcast_in_dim3A_118 : vector<1x1xf32> to vector<40x128xf32>
        %max3A_232 = arith.maximumf %max3A_231, %get3A_219 : vector<40x128xf32>
        %min3A_233 = vector.broadcast %broadcast_in_dim3A_124 : vector<1x1xf32> to vector<40x128xf32>
        %min3A_234 = arith.minimumf %min3A_233, %get3A_222 : vector<40x128xf32>
        %min3A_235 = vector.broadcast %broadcast_in_dim3A_130 : vector<1x1xf32> to vector<40x128xf32>
        %min3A_236 = arith.minimumf %min3A_235, %get3A_225 : vector<40x128xf32>
        %sub3A_237 = arith.subf %min3A_234, %max3A_230 : vector<40x128xf32>
        %max3A_238 = arith.constant 0.000000e+00 : f32
        %max3A_239 = vector.broadcast %max3A_238 : f32 to vector<40x128xf32>
        %max3A_240 = arith.maximumf %sub3A_237, %max3A_239 : vector<40x128xf32>
        %sub3A_241 = arith.subf %min3A_236, %max3A_232 : vector<40x128xf32>
        %max3A_242 = arith.constant 0.000000e+00 : f32
        %max3A_243 = vector.broadcast %max3A_242 : f32 to vector<40x128xf32>
        %max3A_244 = arith.maximumf %sub3A_241, %max3A_243 : vector<40x128xf32>
        %mul3A_245 = arith.mulf %max3A_240, %max3A_244 : vector<40x128xf32>
        %add3A_246 = vector.broadcast %mul3A_132 : vector<1x1xf32> to vector<40x128xf32>
        %add3A_247 = arith.addf %add3A_246, %get3A_228 : vector<40x128xf32>
        %sub3A_248 = arith.subf %add3A_247, %mul3A_245 : vector<40x128xf32>
        %div3A_249 = arith.divf %mul3A_245, %sub3A_248 : vector<40x128xf32>
        %gt3A_250 = vector.broadcast %get3A_11 : f32 to vector<40x128xf32>
        %gt3A_251 = arith.cmpf ogt, %div3A_249, %gt3A_250 : vector<40x128xf32>
        %and3A_252 = vector.broadcast %lt3A_107 : vector<1x1xi1> to vector<40x128xi1>
        %and3A_253 = arith.andi %gt3A_251, %and3A_252 : vector<40x128xi1>
        %get3A_254 = arith.constant 40 : index
        %get3A_255 = arith.constant 0 : index
        %get3A_256 = vector.load %arg7[%get3A_254, %get3A_255] : memref<160x128xf32, #tpu.memory_space<vmem>>, vector<40x128xf32>
        %jit3A_257 = arith.constant 1.000000e+00 : f32
        %broadcast_in_dim3A_258 = vector.broadcast %jit3A_257 : f32 to vector<40x128xf32>
        %select_n3A_259 = arith.select %and3A_253, %broadcast_in_dim3A_258, %get3A_256 : vector<40x128xi1>, vector<40x128xf32>
        %swap3A_260 = arith.constant 40 : index
        %swap3A_261 = arith.constant 0 : index
        %swap3A_262 = vector.load %arg7[%swap3A_260, %swap3A_261] : memref<160x128xf32, #tpu.memory_space<vmem>>, vector<40x128xf32>
        tpu.vector_store %arg7[%swap3A_260, %swap3A_261], %select_n3A_259 {strides = array<i32>} : memref<160x128xf32, #tpu.memory_space<vmem>>, vector<40x128xf32>,
        %get3A_263 = arith.constant 80 : index
        %get3A_264 = arith.constant 0 : index
        %get3A_265 = vector.load %arg1[%get3A_263, %get3A_264] : memref<160x128xf32, #tpu.memory_space<vmem>>, vector<40x128xf32>
        %get3A_266 = arith.constant 80 : index
        %get3A_267 = arith.constant 0 : index
        %get3A_268 = vector.load %arg2[%get3A_266, %get3A_267] : memref<160x128xf32, #tpu.memory_space<vmem>>, vector<40x128xf32>
        %get3A_269 = arith.constant 80 : index
        %get3A_270 = arith.constant 0 : index
        %get3A_271 = vector.load %arg3[%get3A_269, %get3A_270] : memref<160x128xf32, #tpu.memory_space<vmem>>, vector<40x128xf32>
        %get3A_272 = arith.constant 80 : index
        %get3A_273 = arith.constant 0 : index
        %get3A_274 = vector.load %arg4[%get3A_272, %get3A_273] : memref<160x128xf32, #tpu.memory_space<vmem>>, vector<40x128xf32>
        %get3A_275 = arith.constant 80 : index
        %get3A_276 = arith.constant 0 : index
        %get3A_277 = vector.load %arg5[%get3A_275, %get3A_276] : memref<160x128xf32, #tpu.memory_space<vmem>>, vector<40x128xf32>
        %max3A_278 = vector.broadcast %broadcast_in_dim3A_112 : vector<1x1xf32> to vector<40x128xf32>
        %max3A_279 = arith.maximumf %max3A_278, %get3A_265 : vector<40x128xf32>
        %max3A_280 = vector.broadcast %broadcast_in_dim3A_118 : vector<1x1xf32> to vector<40x128xf32>
        %max3A_281 = arith.maximumf %max3A_280, %get3A_268 : vector<40x128xf32>
        %min3A_282 = vector.broadcast %broadcast_in_dim3A_124 : vector<1x1xf32> to vector<40x128xf32>
        %min3A_283 = arith.minimumf %min3A_282, %get3A_271 : vector<40x128xf32>
        %min3A_284 = vector.broadcast %broadcast_in_dim3A_130 : vector<1x1xf32> to vector<40x128xf32>
        %min3A_285 = arith.minimumf %min3A_284, %get3A_274 : vector<40x128xf32>
        %sub3A_286 = arith.subf %min3A_283, %max3A_279 : vector<40x128xf32>
        %max3A_287 = arith.constant 0.000000e+00 : f32
        %max3A_288 = vector.broadcast %max3A_287 : f32 to vector<40x128xf32>
        %max3A_289 = arith.maximumf %sub3A_286, %max3A_288 : vector<40x128xf32>
        %sub3A_290 = arith.subf %min3A_285, %max3A_281 : vector<40x128xf32>
        %max3A_291 = arith.constant 0.000000e+00 : f32
        %max3A_292 = vector.broadcast %max3A_291 : f32 to vector<40x128xf32>
        %max3A_293 = arith.maximumf %sub3A_290, %max3A_292 : vector<40x128xf32>
        %mul3A_294 = arith.mulf %max3A_289, %max3A_293 : vector<40x128xf32>
        %add3A_295 = vector.broadcast %mul3A_132 : vector<1x1xf32> to vector<40x128xf32>
        %add3A_296 = arith.addf %add3A_295, %get3A_277 : vector<40x128xf32>
        %sub3A_297 = arith.subf %add3A_296, %mul3A_294 : vector<40x128xf32>
        %div3A_298 = arith.divf %mul3A_294, %sub3A_297 : vector<40x128xf32>
        %gt3A_299 = vector.broadcast %get3A_11 : f32 to vector<40x128xf32>
        %gt3A_300 = arith.cmpf ogt, %div3A_298, %gt3A_299 : vector<40x128xf32>
        %and3A_301 = vector.broadcast %lt3A_107 : vector<1x1xi1> to vector<40x128xi1>
        %and3A_302 = arith.andi %gt3A_300, %and3A_301 : vector<40x128xi1>
        %get3A_303 = arith.constant 80 : index
        %get3A_304 = arith.constant 0 : index
        %get3A_305 = vector.load %arg7[%get3A_303, %get3A_304] : memref<160x128xf32, #tpu.memory_space<vmem>>, vector<40x128xf32>
        %jit3A_306 = arith.constant 1.000000e+00 : f32
        %broadcast_in_dim3A_307 = vector.broadcast %jit3A_306 : f32 to vector<40x128xf32>
        %select_n3A_308 = arith.select %and3A_302, %broadcast_in_dim3A_307, %get3A_305 : vector<40x128xi1>, vector<40x128xf32>
        %swap3A_309 = arith.constant 80 : index
        %swap3A_310 = arith.constant 0 : index
        %swap3A_311 = vector.load %arg7[%swap3A_309, %swap3A_310] : memref<160x128xf32, #tpu.memory_space<vmem>>, vector<40x128xf32>
        tpu.vector_store %arg7[%swap3A_309, %swap3A_310], %select_n3A_308 {strides = array<i32>} : memref<160x128xf32, #tpu.memory_space<vmem>>, vector<40x128xf32>,
        %get3A_312 = arith.constant 120 : index
        %get3A_313 = arith.constant 0 : index
        %get3A_314 = vector.load %arg1[%get3A_312, %get3A_313] : memref<160x128xf32, #tpu.memory_space<vmem>>, vector<40x128xf32>
        %get3A_315 = arith.constant 120 : index
        %get3A_316 = arith.constant 0 : index
        %get3A_317 = vector.load %arg2[%get3A_315, %get3A_316] : memref<160x128xf32, #tpu.memory_space<vmem>>, vector<40x128xf32>
        %get3A_318 = arith.constant 120 : index
        %get3A_319 = arith.constant 0 : index
        %get3A_320 = vector.load %arg3[%get3A_318, %get3A_319] : memref<160x128xf32, #tpu.memory_space<vmem>>, vector<40x128xf32>
        %get3A_321 = arith.constant 120 : index
        %get3A_322 = arith.constant 0 : index
        %get3A_323 = vector.load %arg4[%get3A_321, %get3A_322] : memref<160x128xf32, #tpu.memory_space<vmem>>, vector<40x128xf32>
        %get3A_324 = arith.constant 120 : index
        %get3A_325 = arith.constant 0 : index
        %get3A_326 = vector.load %arg5[%get3A_324, %get3A_325] : memref<160x128xf32, #tpu.memory_space<vmem>>, vector<40x128xf32>
        %max3A_327 = vector.broadcast %broadcast_in_dim3A_112 : vector<1x1xf32> to vector<40x128xf32>
        %max3A_328 = arith.maximumf %max3A_327, %get3A_314 : vector<40x128xf32>
        %max3A_329 = vector.broadcast %broadcast_in_dim3A_118 : vector<1x1xf32> to vector<40x128xf32>
        %max3A_330 = arith.maximumf %max3A_329, %get3A_317 : vector<40x128xf32>
        %min3A_331 = vector.broadcast %broadcast_in_dim3A_124 : vector<1x1xf32> to vector<40x128xf32>
        %min3A_332 = arith.minimumf %min3A_331, %get3A_320 : vector<40x128xf32>
        %min3A_333 = vector.broadcast %broadcast_in_dim3A_130 : vector<1x1xf32> to vector<40x128xf32>
        %min3A_334 = arith.minimumf %min3A_333, %get3A_323 : vector<40x128xf32>
        %sub3A_335 = arith.subf %min3A_332, %max3A_328 : vector<40x128xf32>
        %max3A_336 = arith.constant 0.000000e+00 : f32
        %max3A_337 = vector.broadcast %max3A_336 : f32 to vector<40x128xf32>
        %max3A_338 = arith.maximumf %sub3A_335, %max3A_337 : vector<40x128xf32>
        %sub3A_339 = arith.subf %min3A_334, %max3A_330 : vector<40x128xf32>
        %max3A_340 = arith.constant 0.000000e+00 : f32
        %max3A_341 = vector.broadcast %max3A_340 : f32 to vector<40x128xf32>
        %max3A_342 = arith.maximumf %sub3A_339, %max3A_341 : vector<40x128xf32>
        %mul3A_343 = arith.mulf %max3A_338, %max3A_342 : vector<40x128xf32>
        %add3A_344 = vector.broadcast %mul3A_132 : vector<1x1xf32> to vector<40x128xf32>
        %add3A_345 = arith.addf %add3A_344, %get3A_326 : vector<40x128xf32>
        %sub3A_346 = arith.subf %add3A_345, %mul3A_343 : vector<40x128xf32>
        %div3A_347 = arith.divf %mul3A_343, %sub3A_346 : vector<40x128xf32>
        %gt3A_348 = vector.broadcast %get3A_11 : f32 to vector<40x128xf32>
        %gt3A_349 = arith.cmpf ogt, %div3A_347, %gt3A_348 : vector<40x128xf32>
        %and3A_350 = vector.broadcast %lt3A_107 : vector<1x1xi1> to vector<40x128xi1>
        %and3A_351 = arith.andi %gt3A_349, %and3A_350 : vector<40x128xi1>
        %get3A_352 = arith.constant 120 : index
        %get3A_353 = arith.constant 0 : index
        %get3A_354 = vector.load %arg7[%get3A_352, %get3A_353] : memref<160x128xf32, #tpu.memory_space<vmem>>, vector<40x128xf32>
        %jit3A_355 = arith.constant 1.000000e+00 : f32
        %broadcast_in_dim3A_356 = vector.broadcast %jit3A_355 : f32 to vector<40x128xf32>
        %select_n3A_357 = arith.select %and3A_351, %broadcast_in_dim3A_356, %get3A_354 : vector<40x128xi1>, vector<40x128xf32>
        %swap3A_358 = arith.constant 120 : index
        %swap3A_359 = arith.constant 0 : index
        %swap3A_360 = vector.load %arg7[%swap3A_358, %swap3A_359] : memref<160x128xf32, #tpu.memory_space<vmem>>, vector<40x128xf32>
        tpu.vector_store %arg7[%swap3A_358, %swap3A_359], %select_n3A_357 {strides = array<i32>} : memref<160x128xf32, #tpu.memory_space<vmem>>, vector<40x128xf32>,
        scf.yield %select_n3A_161 : vector<1x128xf32>
      }
      %scan3A_94 = arith.constant 128 : i32
      %swap3A_95 = arith.index_cast %add3A_70 : i32 to index
      %swap3A_96 = arith.constant 0 : index
      %swap3A_97 = vector.load %arg7[%swap3A_95, %swap3A_96] : memref<160x128xf32, #tpu.memory_space<vmem>>, vector<1x128xf32>
      tpu.vector_store %arg7[%swap3A_95, %swap3A_96], %scan3A_93 {strides = array<i32>} : memref<160x128xf32, #tpu.memory_space<vmem>>, vector<1x128xf32>,
    }
    %scan3A_25 = arith.constant 40 : i32
    %add3A_26 = arith.constant 40 : i32
    %add3A_27 = vector.broadcast %add3A_26 : i32 to vector<40x128xi32>
    %add3A_28 = arith.addi %add3A_27, %iota3A_14 : vector<40x128xi32>
    %mul3A_29 = arith.constant 128 : i32
    %mul3A_30 = vector.broadcast %mul3A_29 : i32 to vector<40x128xi32>
    %mul3A_31 = arith.muli %add3A_28, %mul3A_30 : vector<40x128xi32>
    %add3A_32 = arith.addi %mul3A_31, %iota3A_13 : vector<40x128xi32>
    %scan3A_33 = arith.constant 0 : i32
    %scan3A_34 = arith.constant 40 : i32
    %scan3A_35 = arith.addi %scan3A_33, %scan3A_34 : i32
    %scan3A_36 = arith.constant 1 : i32
    scf.for %scan3A_68 = %scan3A_33 to %scan3A_35 step %scan3A_36  : i32 {
      %add3A_69 = arith.constant 40 : i32
      %add3A_70 = arith.addi %add3A_69, %scan3A_68 : i32
      %get3A_71 = arith.index_cast %add3A_70 : i32 to index
      %get3A_72 = arith.constant 0 : index
      %get3A_73 = vector.load %arg1[%get3A_71, %get3A_72] : memref<160x128xf32, #tpu.memory_space<vmem>>, vector<1x128xf32>
      %get3A_74 = arith.index_cast %add3A_70 : i32 to index
      %get3A_75 = arith.constant 0 : index
      %get3A_76 = vector.load %arg2[%get3A_74, %get3A_75] : memref<160x128xf32, #tpu.memory_space<vmem>>, vector<1x128xf32>
      %get3A_77 = arith.index_cast %add3A_70 : i32 to index
      %get3A_78 = arith.constant 0 : index
      %get3A_79 = vector.load %arg3[%get3A_77, %get3A_78] : memref<160x128xf32, #tpu.memory_space<vmem>>, vector<1x128xf32>
      %get3A_80 = arith.index_cast %add3A_70 : i32 to index
      %get3A_81 = arith.constant 0 : index
      %get3A_82 = vector.load %arg4[%get3A_80, %get3A_81] : memref<160x128xf32, #tpu.memory_space<vmem>>, vector<1x128xf32>
      %get3A_83 = arith.index_cast %add3A_70 : i32 to index
      %get3A_84 = arith.constant 0 : index
      %get3A_85 = vector.load %arg5[%get3A_83, %get3A_84] : memref<160x128xf32, #tpu.memory_space<vmem>>, vector<1x128xf32>
      %get3A_86 = arith.index_cast %add3A_70 : i32 to index
      %get3A_87 = arith.constant 0 : index
      %get3A_88 = vector.load %arg7[%get3A_86, %get3A_87] : memref<160x128xf32, #tpu.memory_space<vmem>>, vector<1x128xf32>
      %scan3A_89 = arith.constant 0 : i32
      %scan3A_90 = arith.constant 128 : i32
      %scan3A_91 = arith.addi %scan3A_89, %scan3A_90 : i32
      %scan3A_92 = arith.constant 1 : i32
      %scan3A_93 = scf.for %scan3A_98 = %scan3A_89 to %scan3A_91 step %scan3A_92 iter_args(%scan3A_99 = %get3A_88) -> (vector<1x128xf32>)  : i32 {
        %eq3A = vector.broadcast %scan3A_98 : i32 to vector<1x128xi32>
        %eq3A_100 = arith.cmpi eq, %iota3A_12, %eq3A : vector<1x128xi32>
        %jit3A_101 = arith.constant 0.000000e+00 : f32
        %broadcast_in_dim3A_102 = vector.broadcast %jit3A_101 : f32 to vector<1x128xf32>
        %select_n3A_103 = arith.select %eq3A_100, %scan3A_99, %broadcast_in_dim3A_102 : vector<1x128xi1>, vector<1x128xf32>
        %reduce_max3A = arith.constant dense<0xFF800000> : vector<1xf32>
        %reduce_max3A_104 = vector.multi_reduction <maximumf>, %select_n3A_103, %reduce_max3A [1] : vector<1x128xf32> to vector<1xf32>
        %broadcast_in_dim3A_105 = vector.shape_cast %reduce_max3A_104 : vector<1xf32> to vector<1x1xf32>
        %lt3A = arith.constant 5.000000e-01 : f32
        %lt3A_106 = vector.broadcast %lt3A : f32 to vector<1x1xf32>
        %lt3A_107 = arith.cmpf olt, %broadcast_in_dim3A_105, %lt3A_106 : vector<1x1xf32>
        %jit3A_108 = arith.constant 0.000000e+00 : f32
        %broadcast_in_dim3A_109 = vector.broadcast %jit3A_108 : f32 to vector<1x128xf32>
        %select_n3A_110 = arith.select %eq3A_100, %get3A_73, %broadcast_in_dim3A_109 : vector<1x128xi1>, vector<1x128xf32>
        %reduce_sum3A = arith.constant dense<0.000000e+00> : vector<1xf32>
        %reduce_sum3A_111 = vector.multi_reduction <add>, %select_n3A_110, %reduce_sum3A [1] : vector<1x128xf32> to vector<1xf32>
        %broadcast_in_dim3A_112 = vector.shape_cast %reduce_sum3A_111 : vector<1xf32> to vector<1x1xf32>
        %jit3A_113 = arith.constant 0.000000e+00 : f32
        %broadcast_in_dim3A_114 = vector.broadcast %jit3A_113 : f32 to vector<1x128xf32>
        %select_n3A_115 = arith.select %eq3A_100, %get3A_76, %broadcast_in_dim3A_114 : vector<1x128xi1>, vector<1x128xf32>
        %reduce_sum3A_116 = arith.constant dense<0.000000e+00> : vector<1xf32>
        %reduce_sum3A_117 = vector.multi_reduction <add>, %select_n3A_115, %reduce_sum3A_116 [1] : vector<1x128xf32> to vector<1xf32>
        %broadcast_in_dim3A_118 = vector.shape_cast %reduce_sum3A_117 : vector<1xf32> to vector<1x1xf32>
        %jit3A_119 = arith.constant 0.000000e+00 : f32
        %broadcast_in_dim3A_120 = vector.broadcast %jit3A_119 : f32 to vector<1x128xf32>
        %select_n3A_121 = arith.select %eq3A_100, %get3A_79, %broadcast_in_dim3A_120 : vector<1x128xi1>, vector<1x128xf32>
        %reduce_sum3A_122 = arith.constant dense<0.000000e+00> : vector<1xf32>
        %reduce_sum3A_123 = vector.multi_reduction <add>, %select_n3A_121, %reduce_sum3A_122 [1] : vector<1x128xf32> to vector<1xf32>
        %broadcast_in_dim3A_124 = vector.shape_cast %reduce_sum3A_123 : vector<1xf32> to vector<1x1xf32>
        %jit3A_125 = arith.constant 0.000000e+00 : f32
        %broadcast_in_dim3A_126 = vector.broadcast %jit3A_125 : f32 to vector<1x128xf32>
        %select_n3A_127 = arith.select %eq3A_100, %get3A_82, %broadcast_in_dim3A_126 : vector<1x128xi1>, vector<1x128xf32>
        %reduce_sum3A_128 = arith.constant dense<0.000000e+00> : vector<1xf32>
        %reduce_sum3A_129 = vector.multi_reduction <add>, %select_n3A_127, %reduce_sum3A_128 [1] : vector<1x128xf32> to vector<1xf32>
        %broadcast_in_dim3A_130 = vector.shape_cast %reduce_sum3A_129 : vector<1xf32> to vector<1x1xf32>
        %sub3A = arith.subf %broadcast_in_dim3A_124, %broadcast_in_dim3A_112 : vector<1x1xf32>
        %sub3A_131 = arith.subf %broadcast_in_dim3A_130, %broadcast_in_dim3A_118 : vector<1x1xf32>
        %mul3A_132 = arith.mulf %sub3A, %sub3A_131 : vector<1x1xf32>
        %mul3A_133 = arith.constant 128 : i32
        %mul3A_134 = arith.muli %add3A_70, %mul3A_133 : i32
        %add3A_135 = arith.addi %mul3A_134, %scan3A_98 : i32
        %max3A = vector.broadcast %broadcast_in_dim3A_112 : vector<1x1xf32> to vector<1x128xf32>
        %max3A_136 = arith.maximumf %max3A, %get3A_73 : vector<1x128xf32>
        %max3A_137 = vector.broadcast %broadcast_in_dim3A_118 : vector<1x1xf32> to vector<1x128xf32>
        %max3A_138 = arith.maximumf %max3A_137, %get3A_76 : vector<1x128xf32>
        %min3A = vector.broadcast %broadcast_in_dim3A_124 : vector<1x1xf32> to vector<1x128xf32>
        %min3A_139 = arith.minimumf %min3A, %get3A_79 : vector<1x128xf32>
        %min3A_140 = vector.broadcast %broadcast_in_dim3A_130 : vector<1x1xf32> to vector<1x128xf32>
        %min3A_141 = arith.minimumf %min3A_140, %get3A_82 : vector<1x128xf32>
        %sub3A_142 = arith.subf %min3A_139, %max3A_136 : vector<1x128xf32>
        %max3A_143 = arith.constant 0.000000e+00 : f32
        %max3A_144 = vector.broadcast %max3A_143 : f32 to vector<1x128xf32>
        %max3A_145 = arith.maximumf %sub3A_142, %max3A_144 : vector<1x128xf32>
        %sub3A_146 = arith.subf %min3A_141, %max3A_138 : vector<1x128xf32>
        %max3A_147 = arith.constant 0.000000e+00 : f32
        %max3A_148 = vector.broadcast %max3A_147 : f32 to vector<1x128xf32>
        %max3A_149 = arith.maximumf %sub3A_146, %max3A_148 : vector<1x128xf32>
        %mul3A_150 = arith.mulf %max3A_145, %max3A_149 : vector<1x128xf32>
        %add3A_151 = vector.broadcast %mul3A_132 : vector<1x1xf32> to vector<1x128xf32>
        %add3A_152 = arith.addf %add3A_151, %get3A_85 : vector<1x128xf32>
        %sub3A_153 = arith.subf %add3A_152, %mul3A_150 : vector<1x128xf32>
        %div3A = arith.divf %mul3A_150, %sub3A_153 : vector<1x128xf32>
        %gt3A = vector.broadcast %get3A_11 : f32 to vector<1x128xf32>
        %gt3A_154 = arith.cmpf ogt, %div3A, %gt3A : vector<1x128xf32>
        %gt3A_155 = vector.broadcast %scan3A_98 : i32 to vector<1x128xi32>
        %gt3A_156 = arith.cmpi sgt, %iota3A_12, %gt3A_155 : vector<1x128xi32>
        %and3A = arith.andi %gt3A_154, %gt3A_156 : vector<1x128xi1>
        %and3A_157 = vector.broadcast %lt3A_107 : vector<1x1xi1> to vector<1x128xi1>
        %and3A_158 = arith.andi %and3A, %and3A_157 : vector<1x128xi1>
        %jit3A_159 = arith.constant 1.000000e+00 : f32
        %broadcast_in_dim3A_160 = vector.broadcast %jit3A_159 : f32 to vector<1x128xf32>
        %select_n3A_161 = arith.select %and3A_158, %broadcast_in_dim3A_160, %scan3A_99 : vector<1x128xi1>, vector<1x128xf32>
        %get3A_162 = arith.constant 40 : index
        %get3A_163 = arith.constant 0 : index
        %get3A_164 = vector.load %arg1[%get3A_162, %get3A_163] : memref<160x128xf32, #tpu.memory_space<vmem>>, vector<40x128xf32>
        %get3A_165 = arith.constant 40 : index
        %get3A_166 = arith.constant 0 : index
        %get3A_167 = vector.load %arg2[%get3A_165, %get3A_166] : memref<160x128xf32, #tpu.memory_space<vmem>>, vector<40x128xf32>
        %get3A_168 = arith.constant 40 : index
        %get3A_169 = arith.constant 0 : index
        %get3A_170 = vector.load %arg3[%get3A_168, %get3A_169] : memref<160x128xf32, #tpu.memory_space<vmem>>, vector<40x128xf32>
        %get3A_171 = arith.constant 40 : index
        %get3A_172 = arith.constant 0 : index
        %get3A_173 = vector.load %arg4[%get3A_171, %get3A_172] : memref<160x128xf32, #tpu.memory_space<vmem>>, vector<40x128xf32>
        %get3A_174 = arith.constant 40 : index
        %get3A_175 = arith.constant 0 : index
        %get3A_176 = vector.load %arg5[%get3A_174, %get3A_175] : memref<160x128xf32, #tpu.memory_space<vmem>>, vector<40x128xf32>
        %max3A_177 = vector.broadcast %broadcast_in_dim3A_112 : vector<1x1xf32> to vector<40x128xf32>
        %max3A_178 = arith.maximumf %max3A_177, %get3A_164 : vector<40x128xf32>
        %max3A_179 = vector.broadcast %broadcast_in_dim3A_118 : vector<1x1xf32> to vector<40x128xf32>
        %max3A_180 = arith.maximumf %max3A_179, %get3A_167 : vector<40x128xf32>
        %min3A_181 = vector.broadcast %broadcast_in_dim3A_124 : vector<1x1xf32> to vector<40x128xf32>
        %min3A_182 = arith.minimumf %min3A_181, %get3A_170 : vector<40x128xf32>
        %min3A_183 = vector.broadcast %broadcast_in_dim3A_130 : vector<1x1xf32> to vector<40x128xf32>
        %min3A_184 = arith.minimumf %min3A_183, %get3A_173 : vector<40x128xf32>
        %sub3A_185 = arith.subf %min3A_182, %max3A_178 : vector<40x128xf32>
        %max3A_186 = arith.constant 0.000000e+00 : f32
        %max3A_187 = vector.broadcast %max3A_186 : f32 to vector<40x128xf32>
        %max3A_188 = arith.maximumf %sub3A_185, %max3A_187 : vector<40x128xf32>
        %sub3A_189 = arith.subf %min3A_184, %max3A_180 : vector<40x128xf32>
        %max3A_190 = arith.constant 0.000000e+00 : f32
        %max3A_191 = vector.broadcast %max3A_190 : f32 to vector<40x128xf32>
        %max3A_192 = arith.maximumf %sub3A_189, %max3A_191 : vector<40x128xf32>
        %mul3A_193 = arith.mulf %max3A_188, %max3A_192 : vector<40x128xf32>
        %add3A_194 = vector.broadcast %mul3A_132 : vector<1x1xf32> to vector<40x128xf32>
        %add3A_195 = arith.addf %add3A_194, %get3A_176 : vector<40x128xf32>
        %sub3A_196 = arith.subf %add3A_195, %mul3A_193 : vector<40x128xf32>
        %div3A_197 = arith.divf %mul3A_193, %sub3A_196 : vector<40x128xf32>
        %gt3A_198 = vector.broadcast %get3A_11 : f32 to vector<40x128xf32>
        %gt3A_199 = arith.cmpf ogt, %div3A_197, %gt3A_198 : vector<40x128xf32>
        %and3A_200 = vector.broadcast %lt3A_107 : vector<1x1xi1> to vector<40x128xi1>
        %and3A_201 = arith.andi %gt3A_199, %and3A_200 : vector<40x128xi1>
        %gt3A_202 = vector.broadcast %add3A_135 : i32 to vector<40x128xi32>
        %gt3A_203 = arith.cmpi sgt, %add3A_32, %gt3A_202 : vector<40x128xi32>
        %and3A_204 = arith.andi %and3A_201, %gt3A_203 : vector<40x128xi1>
        %get3A_205 = arith.constant 40 : index
        %get3A_206 = arith.constant 0 : index
        %get3A_207 = vector.load %arg7[%get3A_205, %get3A_206] : memref<160x128xf32, #tpu.memory_space<vmem>>, vector<40x128xf32>
        %jit3A_208 = arith.constant 1.000000e+00 : f32
        %broadcast_in_dim3A_209 = vector.broadcast %jit3A_208 : f32 to vector<40x128xf32>
        %select_n3A_210 = arith.select %and3A_204, %broadcast_in_dim3A_209, %get3A_207 : vector<40x128xi1>, vector<40x128xf32>
        %swap3A_211 = arith.constant 40 : index
        %swap3A_212 = arith.constant 0 : index
        %swap3A_213 = vector.load %arg7[%swap3A_211, %swap3A_212] : memref<160x128xf32, #tpu.memory_space<vmem>>, vector<40x128xf32>
        tpu.vector_store %arg7[%swap3A_211, %swap3A_212], %select_n3A_210 {strides = array<i32>} : memref<160x128xf32, #tpu.memory_space<vmem>>, vector<40x128xf32>,
        %get3A_214 = arith.constant 80 : index
        %get3A_215 = arith.constant 0 : index
        %get3A_216 = vector.load %arg1[%get3A_214, %get3A_215] : memref<160x128xf32, #tpu.memory_space<vmem>>, vector<40x128xf32>
        %get3A_217 = arith.constant 80 : index
        %get3A_218 = arith.constant 0 : index
        %get3A_219 = vector.load %arg2[%get3A_217, %get3A_218] : memref<160x128xf32, #tpu.memory_space<vmem>>, vector<40x128xf32>
        %get3A_220 = arith.constant 80 : index
        %get3A_221 = arith.constant 0 : index
        %get3A_222 = vector.load %arg3[%get3A_220, %get3A_221] : memref<160x128xf32, #tpu.memory_space<vmem>>, vector<40x128xf32>
        %get3A_223 = arith.constant 80 : index
        %get3A_224 = arith.constant 0 : index
        %get3A_225 = vector.load %arg4[%get3A_223, %get3A_224] : memref<160x128xf32, #tpu.memory_space<vmem>>, vector<40x128xf32>
        %get3A_226 = arith.constant 80 : index
        %get3A_227 = arith.constant 0 : index
        %get3A_228 = vector.load %arg5[%get3A_226, %get3A_227] : memref<160x128xf32, #tpu.memory_space<vmem>>, vector<40x128xf32>
        %max3A_229 = vector.broadcast %broadcast_in_dim3A_112 : vector<1x1xf32> to vector<40x128xf32>
        %max3A_230 = arith.maximumf %max3A_229, %get3A_216 : vector<40x128xf32>
        %max3A_231 = vector.broadcast %broadcast_in_dim3A_118 : vector<1x1xf32> to vector<40x128xf32>
        %max3A_232 = arith.maximumf %max3A_231, %get3A_219 : vector<40x128xf32>
        %min3A_233 = vector.broadcast %broadcast_in_dim3A_124 : vector<1x1xf32> to vector<40x128xf32>
        %min3A_234 = arith.minimumf %min3A_233, %get3A_222 : vector<40x128xf32>
        %min3A_235 = vector.broadcast %broadcast_in_dim3A_130 : vector<1x1xf32> to vector<40x128xf32>
        %min3A_236 = arith.minimumf %min3A_235, %get3A_225 : vector<40x128xf32>
        %sub3A_237 = arith.subf %min3A_234, %max3A_230 : vector<40x128xf32>
        %max3A_238 = arith.constant 0.000000e+00 : f32
        %max3A_239 = vector.broadcast %max3A_238 : f32 to vector<40x128xf32>
        %max3A_240 = arith.maximumf %sub3A_237, %max3A_239 : vector<40x128xf32>
        %sub3A_241 = arith.subf %min3A_236, %max3A_232 : vector<40x128xf32>
        %max3A_242 = arith.constant 0.000000e+00 : f32
        %max3A_243 = vector.broadcast %max3A_242 : f32 to vector<40x128xf32>
        %max3A_244 = arith.maximumf %sub3A_241, %max3A_243 : vector<40x128xf32>
        %mul3A_245 = arith.mulf %max3A_240, %max3A_244 : vector<40x128xf32>
        %add3A_246 = vector.broadcast %mul3A_132 : vector<1x1xf32> to vector<40x128xf32>
        %add3A_247 = arith.addf %add3A_246, %get3A_228 : vector<40x128xf32>
        %sub3A_248 = arith.subf %add3A_247, %mul3A_245 : vector<40x128xf32>
        %div3A_249 = arith.divf %mul3A_245, %sub3A_248 : vector<40x128xf32>
        %gt3A_250 = vector.broadcast %get3A_11 : f32 to vector<40x128xf32>
        %gt3A_251 = arith.cmpf ogt, %div3A_249, %gt3A_250 : vector<40x128xf32>
        %and3A_252 = vector.broadcast %lt3A_107 : vector<1x1xi1> to vector<40x128xi1>
        %and3A_253 = arith.andi %gt3A_251, %and3A_252 : vector<40x128xi1>
        %get3A_254 = arith.constant 80 : index
        %get3A_255 = arith.constant 0 : index
        %get3A_256 = vector.load %arg7[%get3A_254, %get3A_255] : memref<160x128xf32, #tpu.memory_space<vmem>>, vector<40x128xf32>
        %jit3A_257 = arith.constant 1.000000e+00 : f32
        %broadcast_in_dim3A_258 = vector.broadcast %jit3A_257 : f32 to vector<40x128xf32>
        %select_n3A_259 = arith.select %and3A_253, %broadcast_in_dim3A_258, %get3A_256 : vector<40x128xi1>, vector<40x128xf32>
        %swap3A_260 = arith.constant 80 : index
        %swap3A_261 = arith.constant 0 : index
        %swap3A_262 = vector.load %arg7[%swap3A_260, %swap3A_261] : memref<160x128xf32, #tpu.memory_space<vmem>>, vector<40x128xf32>
        tpu.vector_store %arg7[%swap3A_260, %swap3A_261], %select_n3A_259 {strides = array<i32>} : memref<160x128xf32, #tpu.memory_space<vmem>>, vector<40x128xf32>,
        %get3A_263 = arith.constant 120 : index
        %get3A_264 = arith.constant 0 : index
        %get3A_265 = vector.load %arg1[%get3A_263, %get3A_264] : memref<160x128xf32, #tpu.memory_space<vmem>>, vector<40x128xf32>
        %get3A_266 = arith.constant 120 : index
        %get3A_267 = arith.constant 0 : index
        %get3A_268 = vector.load %arg2[%get3A_266, %get3A_267] : memref<160x128xf32, #tpu.memory_space<vmem>>, vector<40x128xf32>
        %get3A_269 = arith.constant 120 : index
        %get3A_270 = arith.constant 0 : index
        %get3A_271 = vector.load %arg3[%get3A_269, %get3A_270] : memref<160x128xf32, #tpu.memory_space<vmem>>, vector<40x128xf32>
        %get3A_272 = arith.constant 120 : index
        %get3A_273 = arith.constant 0 : index
        %get3A_274 = vector.load %arg4[%get3A_272, %get3A_273] : memref<160x128xf32, #tpu.memory_space<vmem>>, vector<40x128xf32>
        %get3A_275 = arith.constant 120 : index
        %get3A_276 = arith.constant 0 : index
        %get3A_277 = vector.load %arg5[%get3A_275, %get3A_276] : memref<160x128xf32, #tpu.memory_space<vmem>>, vector<40x128xf32>
        %max3A_278 = vector.broadcast %broadcast_in_dim3A_112 : vector<1x1xf32> to vector<40x128xf32>
        %max3A_279 = arith.maximumf %max3A_278, %get3A_265 : vector<40x128xf32>
        %max3A_280 = vector.broadcast %broadcast_in_dim3A_118 : vector<1x1xf32> to vector<40x128xf32>
        %max3A_281 = arith.maximumf %max3A_280, %get3A_268 : vector<40x128xf32>
        %min3A_282 = vector.broadcast %broadcast_in_dim3A_124 : vector<1x1xf32> to vector<40x128xf32>
        %min3A_283 = arith.minimumf %min3A_282, %get3A_271 : vector<40x128xf32>
        %min3A_284 = vector.broadcast %broadcast_in_dim3A_130 : vector<1x1xf32> to vector<40x128xf32>
        %min3A_285 = arith.minimumf %min3A_284, %get3A_274 : vector<40x128xf32>
        %sub3A_286 = arith.subf %min3A_283, %max3A_279 : vector<40x128xf32>
        %max3A_287 = arith.constant 0.000000e+00 : f32
        %max3A_288 = vector.broadcast %max3A_287 : f32 to vector<40x128xf32>
        %max3A_289 = arith.maximumf %sub3A_286, %max3A_288 : vector<40x128xf32>
        %sub3A_290 = arith.subf %min3A_285, %max3A_281 : vector<40x128xf32>
        %max3A_291 = arith.constant 0.000000e+00 : f32
        %max3A_292 = vector.broadcast %max3A_291 : f32 to vector<40x128xf32>
        %max3A_293 = arith.maximumf %sub3A_290, %max3A_292 : vector<40x128xf32>
        %mul3A_294 = arith.mulf %max3A_289, %max3A_293 : vector<40x128xf32>
        %add3A_295 = vector.broadcast %mul3A_132 : vector<1x1xf32> to vector<40x128xf32>
        %add3A_296 = arith.addf %add3A_295, %get3A_277 : vector<40x128xf32>
        %sub3A_297 = arith.subf %add3A_296, %mul3A_294 : vector<40x128xf32>
        %div3A_298 = arith.divf %mul3A_294, %sub3A_297 : vector<40x128xf32>
        %gt3A_299 = vector.broadcast %get3A_11 : f32 to vector<40x128xf32>
        %gt3A_300 = arith.cmpf ogt, %div3A_298, %gt3A_299 : vector<40x128xf32>
        %and3A_301 = vector.broadcast %lt3A_107 : vector<1x1xi1> to vector<40x128xi1>
        %and3A_302 = arith.andi %gt3A_300, %and3A_301 : vector<40x128xi1>
        %get3A_303 = arith.constant 120 : index
        %get3A_304 = arith.constant 0 : index
        %get3A_305 = vector.load %arg7[%get3A_303, %get3A_304] : memref<160x128xf32, #tpu.memory_space<vmem>>, vector<40x128xf32>
        %jit3A_306 = arith.constant 1.000000e+00 : f32
        %broadcast_in_dim3A_307 = vector.broadcast %jit3A_306 : f32 to vector<40x128xf32>
        %select_n3A_308 = arith.select %and3A_302, %broadcast_in_dim3A_307, %get3A_305 : vector<40x128xi1>, vector<40x128xf32>
        %swap3A_309 = arith.constant 120 : index
        %swap3A_310 = arith.constant 0 : index
        %swap3A_311 = vector.load %arg7[%swap3A_309, %swap3A_310] : memref<160x128xf32, #tpu.memory_space<vmem>>, vector<40x128xf32>
        tpu.vector_store %arg7[%swap3A_309, %swap3A_310], %select_n3A_308 {strides = array<i32>} : memref<160x128xf32, #tpu.memory_space<vmem>>, vector<40x128xf32>,
        scf.yield %select_n3A_161 : vector<1x128xf32>
      }
      %scan3A_94 = arith.constant 128 : i32
      %swap3A_95 = arith.index_cast %add3A_70 : i32 to index
      %swap3A_96 = arith.constant 0 : index
      %swap3A_97 = vector.load %arg7[%swap3A_95, %swap3A_96] : memref<160x128xf32, #tpu.memory_space<vmem>>, vector<1x128xf32>
      tpu.vector_store %arg7[%swap3A_95, %swap3A_96], %scan3A_93 {strides = array<i32>} : memref<160x128xf32, #tpu.memory_space<vmem>>, vector<1x128xf32>,
    }
    %scan3A_37 = arith.constant 40 : i32
    %add3A_38 = arith.constant 80 : i32
    %add3A_39 = vector.broadcast %add3A_38 : i32 to vector<40x128xi32>
    %add3A_40 = arith.addi %add3A_39, %iota3A_14 : vector<40x128xi32>
    %mul3A_41 = arith.constant 128 : i32
    %mul3A_42 = vector.broadcast %mul3A_41 : i32 to vector<40x128xi32>
    %mul3A_43 = arith.muli %add3A_40, %mul3A_42 : vector<40x128xi32>
    %add3A_44 = arith.addi %mul3A_43, %iota3A_13 : vector<40x128xi32>
    %scan3A_45 = arith.constant 0 : i32
    %scan3A_46 = arith.constant 40 : i32
    %scan3A_47 = arith.addi %scan3A_45, %scan3A_46 : i32
    %scan3A_48 = arith.constant 1 : i32
    scf.for %scan3A_68 = %scan3A_45 to %scan3A_47 step %scan3A_48  : i32 {
      %add3A_69 = arith.constant 80 : i32
      %add3A_70 = arith.addi %add3A_69, %scan3A_68 : i32
      %get3A_71 = arith.index_cast %add3A_70 : i32 to index
      %get3A_72 = arith.constant 0 : index
      %get3A_73 = vector.load %arg1[%get3A_71, %get3A_72] : memref<160x128xf32, #tpu.memory_space<vmem>>, vector<1x128xf32>
      %get3A_74 = arith.index_cast %add3A_70 : i32 to index
      %get3A_75 = arith.constant 0 : index
      %get3A_76 = vector.load %arg2[%get3A_74, %get3A_75] : memref<160x128xf32, #tpu.memory_space<vmem>>, vector<1x128xf32>
      %get3A_77 = arith.index_cast %add3A_70 : i32 to index
      %get3A_78 = arith.constant 0 : index
      %get3A_79 = vector.load %arg3[%get3A_77, %get3A_78] : memref<160x128xf32, #tpu.memory_space<vmem>>, vector<1x128xf32>
      %get3A_80 = arith.index_cast %add3A_70 : i32 to index
      %get3A_81 = arith.constant 0 : index
      %get3A_82 = vector.load %arg4[%get3A_80, %get3A_81] : memref<160x128xf32, #tpu.memory_space<vmem>>, vector<1x128xf32>
      %get3A_83 = arith.index_cast %add3A_70 : i32 to index
      %get3A_84 = arith.constant 0 : index
      %get3A_85 = vector.load %arg5[%get3A_83, %get3A_84] : memref<160x128xf32, #tpu.memory_space<vmem>>, vector<1x128xf32>
      %get3A_86 = arith.index_cast %add3A_70 : i32 to index
      %get3A_87 = arith.constant 0 : index
      %get3A_88 = vector.load %arg7[%get3A_86, %get3A_87] : memref<160x128xf32, #tpu.memory_space<vmem>>, vector<1x128xf32>
      %scan3A_89 = arith.constant 0 : i32
      %scan3A_90 = arith.constant 128 : i32
      %scan3A_91 = arith.addi %scan3A_89, %scan3A_90 : i32
      %scan3A_92 = arith.constant 1 : i32
      %scan3A_93 = scf.for %scan3A_98 = %scan3A_89 to %scan3A_91 step %scan3A_92 iter_args(%scan3A_99 = %get3A_88) -> (vector<1x128xf32>)  : i32 {
        %eq3A = vector.broadcast %scan3A_98 : i32 to vector<1x128xi32>
        %eq3A_100 = arith.cmpi eq, %iota3A_12, %eq3A : vector<1x128xi32>
        %jit3A_101 = arith.constant 0.000000e+00 : f32
        %broadcast_in_dim3A_102 = vector.broadcast %jit3A_101 : f32 to vector<1x128xf32>
        %select_n3A_103 = arith.select %eq3A_100, %scan3A_99, %broadcast_in_dim3A_102 : vector<1x128xi1>, vector<1x128xf32>
        %reduce_max3A = arith.constant dense<0xFF800000> : vector<1xf32>
        %reduce_max3A_104 = vector.multi_reduction <maximumf>, %select_n3A_103, %reduce_max3A [1] : vector<1x128xf32> to vector<1xf32>
        %broadcast_in_dim3A_105 = vector.shape_cast %reduce_max3A_104 : vector<1xf32> to vector<1x1xf32>
        %lt3A = arith.constant 5.000000e-01 : f32
        %lt3A_106 = vector.broadcast %lt3A : f32 to vector<1x1xf32>
        %lt3A_107 = arith.cmpf olt, %broadcast_in_dim3A_105, %lt3A_106 : vector<1x1xf32>
        %jit3A_108 = arith.constant 0.000000e+00 : f32
        %broadcast_in_dim3A_109 = vector.broadcast %jit3A_108 : f32 to vector<1x128xf32>
        %select_n3A_110 = arith.select %eq3A_100, %get3A_73, %broadcast_in_dim3A_109 : vector<1x128xi1>, vector<1x128xf32>
        %reduce_sum3A = arith.constant dense<0.000000e+00> : vector<1xf32>
        %reduce_sum3A_111 = vector.multi_reduction <add>, %select_n3A_110, %reduce_sum3A [1] : vector<1x128xf32> to vector<1xf32>
        %broadcast_in_dim3A_112 = vector.shape_cast %reduce_sum3A_111 : vector<1xf32> to vector<1x1xf32>
        %jit3A_113 = arith.constant 0.000000e+00 : f32
        %broadcast_in_dim3A_114 = vector.broadcast %jit3A_113 : f32 to vector<1x128xf32>
        %select_n3A_115 = arith.select %eq3A_100, %get3A_76, %broadcast_in_dim3A_114 : vector<1x128xi1>, vector<1x128xf32>
        %reduce_sum3A_116 = arith.constant dense<0.000000e+00> : vector<1xf32>
        %reduce_sum3A_117 = vector.multi_reduction <add>, %select_n3A_115, %reduce_sum3A_116 [1] : vector<1x128xf32> to vector<1xf32>
        %broadcast_in_dim3A_118 = vector.shape_cast %reduce_sum3A_117 : vector<1xf32> to vector<1x1xf32>
        %jit3A_119 = arith.constant 0.000000e+00 : f32
        %broadcast_in_dim3A_120 = vector.broadcast %jit3A_119 : f32 to vector<1x128xf32>
        %select_n3A_121 = arith.select %eq3A_100, %get3A_79, %broadcast_in_dim3A_120 : vector<1x128xi1>, vector<1x128xf32>
        %reduce_sum3A_122 = arith.constant dense<0.000000e+00> : vector<1xf32>
        %reduce_sum3A_123 = vector.multi_reduction <add>, %select_n3A_121, %reduce_sum3A_122 [1] : vector<1x128xf32> to vector<1xf32>
        %broadcast_in_dim3A_124 = vector.shape_cast %reduce_sum3A_123 : vector<1xf32> to vector<1x1xf32>
        %jit3A_125 = arith.constant 0.000000e+00 : f32
        %broadcast_in_dim3A_126 = vector.broadcast %jit3A_125 : f32 to vector<1x128xf32>
        %select_n3A_127 = arith.select %eq3A_100, %get3A_82, %broadcast_in_dim3A_126 : vector<1x128xi1>, vector<1x128xf32>
        %reduce_sum3A_128 = arith.constant dense<0.000000e+00> : vector<1xf32>
        %reduce_sum3A_129 = vector.multi_reduction <add>, %select_n3A_127, %reduce_sum3A_128 [1] : vector<1x128xf32> to vector<1xf32>
        %broadcast_in_dim3A_130 = vector.shape_cast %reduce_sum3A_129 : vector<1xf32> to vector<1x1xf32>
        %sub3A = arith.subf %broadcast_in_dim3A_124, %broadcast_in_dim3A_112 : vector<1x1xf32>
        %sub3A_131 = arith.subf %broadcast_in_dim3A_130, %broadcast_in_dim3A_118 : vector<1x1xf32>
        %mul3A_132 = arith.mulf %sub3A, %sub3A_131 : vector<1x1xf32>
        %mul3A_133 = arith.constant 128 : i32
        %mul3A_134 = arith.muli %add3A_70, %mul3A_133 : i32
        %add3A_135 = arith.addi %mul3A_134, %scan3A_98 : i32
        %max3A = vector.broadcast %broadcast_in_dim3A_112 : vector<1x1xf32> to vector<1x128xf32>
        %max3A_136 = arith.maximumf %max3A, %get3A_73 : vector<1x128xf32>
        %max3A_137 = vector.broadcast %broadcast_in_dim3A_118 : vector<1x1xf32> to vector<1x128xf32>
        %max3A_138 = arith.maximumf %max3A_137, %get3A_76 : vector<1x128xf32>
        %min3A = vector.broadcast %broadcast_in_dim3A_124 : vector<1x1xf32> to vector<1x128xf32>
        %min3A_139 = arith.minimumf %min3A, %get3A_79 : vector<1x128xf32>
        %min3A_140 = vector.broadcast %broadcast_in_dim3A_130 : vector<1x1xf32> to vector<1x128xf32>
        %min3A_141 = arith.minimumf %min3A_140, %get3A_82 : vector<1x128xf32>
        %sub3A_142 = arith.subf %min3A_139, %max3A_136 : vector<1x128xf32>
        %max3A_143 = arith.constant 0.000000e+00 : f32
        %max3A_144 = vector.broadcast %max3A_143 : f32 to vector<1x128xf32>
        %max3A_145 = arith.maximumf %sub3A_142, %max3A_144 : vector<1x128xf32>
        %sub3A_146 = arith.subf %min3A_141, %max3A_138 : vector<1x128xf32>
        %max3A_147 = arith.constant 0.000000e+00 : f32
        %max3A_148 = vector.broadcast %max3A_147 : f32 to vector<1x128xf32>
        %max3A_149 = arith.maximumf %sub3A_146, %max3A_148 : vector<1x128xf32>
        %mul3A_150 = arith.mulf %max3A_145, %max3A_149 : vector<1x128xf32>
        %add3A_151 = vector.broadcast %mul3A_132 : vector<1x1xf32> to vector<1x128xf32>
        %add3A_152 = arith.addf %add3A_151, %get3A_85 : vector<1x128xf32>
        %sub3A_153 = arith.subf %add3A_152, %mul3A_150 : vector<1x128xf32>
        %div3A = arith.divf %mul3A_150, %sub3A_153 : vector<1x128xf32>
        %gt3A = vector.broadcast %get3A_11 : f32 to vector<1x128xf32>
        %gt3A_154 = arith.cmpf ogt, %div3A, %gt3A : vector<1x128xf32>
        %gt3A_155 = vector.broadcast %scan3A_98 : i32 to vector<1x128xi32>
        %gt3A_156 = arith.cmpi sgt, %iota3A_12, %gt3A_155 : vector<1x128xi32>
        %and3A = arith.andi %gt3A_154, %gt3A_156 : vector<1x128xi1>
        %and3A_157 = vector.broadcast %lt3A_107 : vector<1x1xi1> to vector<1x128xi1>
        %and3A_158 = arith.andi %and3A, %and3A_157 : vector<1x128xi1>
        %jit3A_159 = arith.constant 1.000000e+00 : f32
        %broadcast_in_dim3A_160 = vector.broadcast %jit3A_159 : f32 to vector<1x128xf32>
        %select_n3A_161 = arith.select %and3A_158, %broadcast_in_dim3A_160, %scan3A_99 : vector<1x128xi1>, vector<1x128xf32>
        %get3A_162 = arith.constant 80 : index
        %get3A_163 = arith.constant 0 : index
        %get3A_164 = vector.load %arg1[%get3A_162, %get3A_163] : memref<160x128xf32, #tpu.memory_space<vmem>>, vector<40x128xf32>
        %get3A_165 = arith.constant 80 : index
        %get3A_166 = arith.constant 0 : index
        %get3A_167 = vector.load %arg2[%get3A_165, %get3A_166] : memref<160x128xf32, #tpu.memory_space<vmem>>, vector<40x128xf32>
        %get3A_168 = arith.constant 80 : index
        %get3A_169 = arith.constant 0 : index
        %get3A_170 = vector.load %arg3[%get3A_168, %get3A_169] : memref<160x128xf32, #tpu.memory_space<vmem>>, vector<40x128xf32>
        %get3A_171 = arith.constant 80 : index
        %get3A_172 = arith.constant 0 : index
        %get3A_173 = vector.load %arg4[%get3A_171, %get3A_172] : memref<160x128xf32, #tpu.memory_space<vmem>>, vector<40x128xf32>
        %get3A_174 = arith.constant 80 : index
        %get3A_175 = arith.constant 0 : index
        %get3A_176 = vector.load %arg5[%get3A_174, %get3A_175] : memref<160x128xf32, #tpu.memory_space<vmem>>, vector<40x128xf32>
        %max3A_177 = vector.broadcast %broadcast_in_dim3A_112 : vector<1x1xf32> to vector<40x128xf32>
        %max3A_178 = arith.maximumf %max3A_177, %get3A_164 : vector<40x128xf32>
        %max3A_179 = vector.broadcast %broadcast_in_dim3A_118 : vector<1x1xf32> to vector<40x128xf32>
        %max3A_180 = arith.maximumf %max3A_179, %get3A_167 : vector<40x128xf32>
        %min3A_181 = vector.broadcast %broadcast_in_dim3A_124 : vector<1x1xf32> to vector<40x128xf32>
        %min3A_182 = arith.minimumf %min3A_181, %get3A_170 : vector<40x128xf32>
        %min3A_183 = vector.broadcast %broadcast_in_dim3A_130 : vector<1x1xf32> to vector<40x128xf32>
        %min3A_184 = arith.minimumf %min3A_183, %get3A_173 : vector<40x128xf32>
        %sub3A_185 = arith.subf %min3A_182, %max3A_178 : vector<40x128xf32>
        %max3A_186 = arith.constant 0.000000e+00 : f32
        %max3A_187 = vector.broadcast %max3A_186 : f32 to vector<40x128xf32>
        %max3A_188 = arith.maximumf %sub3A_185, %max3A_187 : vector<40x128xf32>
        %sub3A_189 = arith.subf %min3A_184, %max3A_180 : vector<40x128xf32>
        %max3A_190 = arith.constant 0.000000e+00 : f32
        %max3A_191 = vector.broadcast %max3A_190 : f32 to vector<40x128xf32>
        %max3A_192 = arith.maximumf %sub3A_189, %max3A_191 : vector<40x128xf32>
        %mul3A_193 = arith.mulf %max3A_188, %max3A_192 : vector<40x128xf32>
        %add3A_194 = vector.broadcast %mul3A_132 : vector<1x1xf32> to vector<40x128xf32>
        %add3A_195 = arith.addf %add3A_194, %get3A_176 : vector<40x128xf32>
        %sub3A_196 = arith.subf %add3A_195, %mul3A_193 : vector<40x128xf32>
        %div3A_197 = arith.divf %mul3A_193, %sub3A_196 : vector<40x128xf32>
        %gt3A_198 = vector.broadcast %get3A_11 : f32 to vector<40x128xf32>
        %gt3A_199 = arith.cmpf ogt, %div3A_197, %gt3A_198 : vector<40x128xf32>
        %and3A_200 = vector.broadcast %lt3A_107 : vector<1x1xi1> to vector<40x128xi1>
        %and3A_201 = arith.andi %gt3A_199, %and3A_200 : vector<40x128xi1>
        %gt3A_202 = vector.broadcast %add3A_135 : i32 to vector<40x128xi32>
        %gt3A_203 = arith.cmpi sgt, %add3A_44, %gt3A_202 : vector<40x128xi32>
        %and3A_204 = arith.andi %and3A_201, %gt3A_203 : vector<40x128xi1>
        %get3A_205 = arith.constant 80 : index
        %get3A_206 = arith.constant 0 : index
        %get3A_207 = vector.load %arg7[%get3A_205, %get3A_206] : memref<160x128xf32, #tpu.memory_space<vmem>>, vector<40x128xf32>
        %jit3A_208 = arith.constant 1.000000e+00 : f32
        %broadcast_in_dim3A_209 = vector.broadcast %jit3A_208 : f32 to vector<40x128xf32>
        %select_n3A_210 = arith.select %and3A_204, %broadcast_in_dim3A_209, %get3A_207 : vector<40x128xi1>, vector<40x128xf32>
        %swap3A_211 = arith.constant 80 : index
        %swap3A_212 = arith.constant 0 : index
        %swap3A_213 = vector.load %arg7[%swap3A_211, %swap3A_212] : memref<160x128xf32, #tpu.memory_space<vmem>>, vector<40x128xf32>
        tpu.vector_store %arg7[%swap3A_211, %swap3A_212], %select_n3A_210 {strides = array<i32>} : memref<160x128xf32, #tpu.memory_space<vmem>>, vector<40x128xf32>,
        %get3A_214 = arith.constant 120 : index
        %get3A_215 = arith.constant 0 : index
        %get3A_216 = vector.load %arg1[%get3A_214, %get3A_215] : memref<160x128xf32, #tpu.memory_space<vmem>>, vector<40x128xf32>
        %get3A_217 = arith.constant 120 : index
        %get3A_218 = arith.constant 0 : index
        %get3A_219 = vector.load %arg2[%get3A_217, %get3A_218] : memref<160x128xf32, #tpu.memory_space<vmem>>, vector<40x128xf32>
        %get3A_220 = arith.constant 120 : index
        %get3A_221 = arith.constant 0 : index
        %get3A_222 = vector.load %arg3[%get3A_220, %get3A_221] : memref<160x128xf32, #tpu.memory_space<vmem>>, vector<40x128xf32>
        %get3A_223 = arith.constant 120 : index
        %get3A_224 = arith.constant 0 : index
        %get3A_225 = vector.load %arg4[%get3A_223, %get3A_224] : memref<160x128xf32, #tpu.memory_space<vmem>>, vector<40x128xf32>
        %get3A_226 = arith.constant 120 : index
        %get3A_227 = arith.constant 0 : index
        %get3A_228 = vector.load %arg5[%get3A_226, %get3A_227] : memref<160x128xf32, #tpu.memory_space<vmem>>, vector<40x128xf32>
        %max3A_229 = vector.broadcast %broadcast_in_dim3A_112 : vector<1x1xf32> to vector<40x128xf32>
        %max3A_230 = arith.maximumf %max3A_229, %get3A_216 : vector<40x128xf32>
        %max3A_231 = vector.broadcast %broadcast_in_dim3A_118 : vector<1x1xf32> to vector<40x128xf32>
        %max3A_232 = arith.maximumf %max3A_231, %get3A_219 : vector<40x128xf32>
        %min3A_233 = vector.broadcast %broadcast_in_dim3A_124 : vector<1x1xf32> to vector<40x128xf32>
        %min3A_234 = arith.minimumf %min3A_233, %get3A_222 : vector<40x128xf32>
        %min3A_235 = vector.broadcast %broadcast_in_dim3A_130 : vector<1x1xf32> to vector<40x128xf32>
        %min3A_236 = arith.minimumf %min3A_235, %get3A_225 : vector<40x128xf32>
        %sub3A_237 = arith.subf %min3A_234, %max3A_230 : vector<40x128xf32>
        %max3A_238 = arith.constant 0.000000e+00 : f32
        %max3A_239 = vector.broadcast %max3A_238 : f32 to vector<40x128xf32>
        %max3A_240 = arith.maximumf %sub3A_237, %max3A_239 : vector<40x128xf32>
        %sub3A_241 = arith.subf %min3A_236, %max3A_232 : vector<40x128xf32>
        %max3A_242 = arith.constant 0.000000e+00 : f32
        %max3A_243 = vector.broadcast %max3A_242 : f32 to vector<40x128xf32>
        %max3A_244 = arith.maximumf %sub3A_241, %max3A_243 : vector<40x128xf32>
        %mul3A_245 = arith.mulf %max3A_240, %max3A_244 : vector<40x128xf32>
        %add3A_246 = vector.broadcast %mul3A_132 : vector<1x1xf32> to vector<40x128xf32>
        %add3A_247 = arith.addf %add3A_246, %get3A_228 : vector<40x128xf32>
        %sub3A_248 = arith.subf %add3A_247, %mul3A_245 : vector<40x128xf32>
        %div3A_249 = arith.divf %mul3A_245, %sub3A_248 : vector<40x128xf32>
        %gt3A_250 = vector.broadcast %get3A_11 : f32 to vector<40x128xf32>
        %gt3A_251 = arith.cmpf ogt, %div3A_249, %gt3A_250 : vector<40x128xf32>
        %and3A_252 = vector.broadcast %lt3A_107 : vector<1x1xi1> to vector<40x128xi1>
        %and3A_253 = arith.andi %gt3A_251, %and3A_252 : vector<40x128xi1>
        %get3A_254 = arith.constant 120 : index
        %get3A_255 = arith.constant 0 : index
        %get3A_256 = vector.load %arg7[%get3A_254, %get3A_255] : memref<160x128xf32, #tpu.memory_space<vmem>>, vector<40x128xf32>
        %jit3A_257 = arith.constant 1.000000e+00 : f32
        %broadcast_in_dim3A_258 = vector.broadcast %jit3A_257 : f32 to vector<40x128xf32>
        %select_n3A_259 = arith.select %and3A_253, %broadcast_in_dim3A_258, %get3A_256 : vector<40x128xi1>, vector<40x128xf32>
        %swap3A_260 = arith.constant 120 : index
        %swap3A_261 = arith.constant 0 : index
        %swap3A_262 = vector.load %arg7[%swap3A_260, %swap3A_261] : memref<160x128xf32, #tpu.memory_space<vmem>>, vector<40x128xf32>
        tpu.vector_store %arg7[%swap3A_260, %swap3A_261], %select_n3A_259 {strides = array<i32>} : memref<160x128xf32, #tpu.memory_space<vmem>>, vector<40x128xf32>,
        scf.yield %select_n3A_161 : vector<1x128xf32>
      }
      %scan3A_94 = arith.constant 128 : i32
      %swap3A_95 = arith.index_cast %add3A_70 : i32 to index
      %swap3A_96 = arith.constant 0 : index
      %swap3A_97 = vector.load %arg7[%swap3A_95, %swap3A_96] : memref<160x128xf32, #tpu.memory_space<vmem>>, vector<1x128xf32>
      tpu.vector_store %arg7[%swap3A_95, %swap3A_96], %scan3A_93 {strides = array<i32>} : memref<160x128xf32, #tpu.memory_space<vmem>>, vector<1x128xf32>,
    }
    %scan3A_49 = arith.constant 40 : i32
    %add3A_50 = arith.constant 120 : i32
    %add3A_51 = vector.broadcast %add3A_50 : i32 to vector<40x128xi32>
    %add3A_52 = arith.addi %add3A_51, %iota3A_14 : vector<40x128xi32>
    %mul3A_53 = arith.constant 128 : i32
    %mul3A_54 = vector.broadcast %mul3A_53 : i32 to vector<40x128xi32>
    %mul3A_55 = arith.muli %add3A_52, %mul3A_54 : vector<40x128xi32>
    %add3A_56 = arith.addi %mul3A_55, %iota3A_13 : vector<40x128xi32>
    %scan3A_57 = arith.constant 0 : i32
    %scan3A_58 = arith.constant 40 : i32
    %scan3A_59 = arith.addi %scan3A_57, %scan3A_58 : i32
    %scan3A_60 = arith.constant 1 : i32
    scf.for %scan3A_68 = %scan3A_57 to %scan3A_59 step %scan3A_60  : i32 {
      %add3A_69 = arith.constant 120 : i32
      %add3A_70 = arith.addi %add3A_69, %scan3A_68 : i32
      %get3A_71 = arith.index_cast %add3A_70 : i32 to index
      %get3A_72 = arith.constant 0 : index
      %get3A_73 = vector.load %arg1[%get3A_71, %get3A_72] : memref<160x128xf32, #tpu.memory_space<vmem>>, vector<1x128xf32>
      %get3A_74 = arith.index_cast %add3A_70 : i32 to index
      %get3A_75 = arith.constant 0 : index
      %get3A_76 = vector.load %arg2[%get3A_74, %get3A_75] : memref<160x128xf32, #tpu.memory_space<vmem>>, vector<1x128xf32>
      %get3A_77 = arith.index_cast %add3A_70 : i32 to index
      %get3A_78 = arith.constant 0 : index
      %get3A_79 = vector.load %arg3[%get3A_77, %get3A_78] : memref<160x128xf32, #tpu.memory_space<vmem>>, vector<1x128xf32>
      %get3A_80 = arith.index_cast %add3A_70 : i32 to index
      %get3A_81 = arith.constant 0 : index
      %get3A_82 = vector.load %arg4[%get3A_80, %get3A_81] : memref<160x128xf32, #tpu.memory_space<vmem>>, vector<1x128xf32>
      %get3A_83 = arith.index_cast %add3A_70 : i32 to index
      %get3A_84 = arith.constant 0 : index
      %get3A_85 = vector.load %arg5[%get3A_83, %get3A_84] : memref<160x128xf32, #tpu.memory_space<vmem>>, vector<1x128xf32>
      %get3A_86 = arith.index_cast %add3A_70 : i32 to index
      %get3A_87 = arith.constant 0 : index
      %get3A_88 = vector.load %arg7[%get3A_86, %get3A_87] : memref<160x128xf32, #tpu.memory_space<vmem>>, vector<1x128xf32>
      %scan3A_89 = arith.constant 0 : i32
      %scan3A_90 = arith.constant 128 : i32
      %scan3A_91 = arith.addi %scan3A_89, %scan3A_90 : i32
      %scan3A_92 = arith.constant 1 : i32
      %scan3A_93 = scf.for %scan3A_98 = %scan3A_89 to %scan3A_91 step %scan3A_92 iter_args(%scan3A_99 = %get3A_88) -> (vector<1x128xf32>)  : i32 {
        %eq3A = vector.broadcast %scan3A_98 : i32 to vector<1x128xi32>
        %eq3A_100 = arith.cmpi eq, %iota3A_12, %eq3A : vector<1x128xi32>
        %jit3A_101 = arith.constant 0.000000e+00 : f32
        %broadcast_in_dim3A_102 = vector.broadcast %jit3A_101 : f32 to vector<1x128xf32>
        %select_n3A_103 = arith.select %eq3A_100, %scan3A_99, %broadcast_in_dim3A_102 : vector<1x128xi1>, vector<1x128xf32>
        %reduce_max3A = arith.constant dense<0xFF800000> : vector<1xf32>
        %reduce_max3A_104 = vector.multi_reduction <maximumf>, %select_n3A_103, %reduce_max3A [1] : vector<1x128xf32> to vector<1xf32>
        %broadcast_in_dim3A_105 = vector.shape_cast %reduce_max3A_104 : vector<1xf32> to vector<1x1xf32>
        %lt3A = arith.constant 5.000000e-01 : f32
        %lt3A_106 = vector.broadcast %lt3A : f32 to vector<1x1xf32>
        %lt3A_107 = arith.cmpf olt, %broadcast_in_dim3A_105, %lt3A_106 : vector<1x1xf32>
        %jit3A_108 = arith.constant 0.000000e+00 : f32
        %broadcast_in_dim3A_109 = vector.broadcast %jit3A_108 : f32 to vector<1x128xf32>
        %select_n3A_110 = arith.select %eq3A_100, %get3A_73, %broadcast_in_dim3A_109 : vector<1x128xi1>, vector<1x128xf32>
        %reduce_sum3A = arith.constant dense<0.000000e+00> : vector<1xf32>
        %reduce_sum3A_111 = vector.multi_reduction <add>, %select_n3A_110, %reduce_sum3A [1] : vector<1x128xf32> to vector<1xf32>
        %broadcast_in_dim3A_112 = vector.shape_cast %reduce_sum3A_111 : vector<1xf32> to vector<1x1xf32>
        %jit3A_113 = arith.constant 0.000000e+00 : f32
        %broadcast_in_dim3A_114 = vector.broadcast %jit3A_113 : f32 to vector<1x128xf32>
        %select_n3A_115 = arith.select %eq3A_100, %get3A_76, %broadcast_in_dim3A_114 : vector<1x128xi1>, vector<1x128xf32>
        %reduce_sum3A_116 = arith.constant dense<0.000000e+00> : vector<1xf32>
        %reduce_sum3A_117 = vector.multi_reduction <add>, %select_n3A_115, %reduce_sum3A_116 [1] : vector<1x128xf32> to vector<1xf32>
        %broadcast_in_dim3A_118 = vector.shape_cast %reduce_sum3A_117 : vector<1xf32> to vector<1x1xf32>
        %jit3A_119 = arith.constant 0.000000e+00 : f32
        %broadcast_in_dim3A_120 = vector.broadcast %jit3A_119 : f32 to vector<1x128xf32>
        %select_n3A_121 = arith.select %eq3A_100, %get3A_79, %broadcast_in_dim3A_120 : vector<1x128xi1>, vector<1x128xf32>
        %reduce_sum3A_122 = arith.constant dense<0.000000e+00> : vector<1xf32>
        %reduce_sum3A_123 = vector.multi_reduction <add>, %select_n3A_121, %reduce_sum3A_122 [1] : vector<1x128xf32> to vector<1xf32>
        %broadcast_in_dim3A_124 = vector.shape_cast %reduce_sum3A_123 : vector<1xf32> to vector<1x1xf32>
        %jit3A_125 = arith.constant 0.000000e+00 : f32
        %broadcast_in_dim3A_126 = vector.broadcast %jit3A_125 : f32 to vector<1x128xf32>
        %select_n3A_127 = arith.select %eq3A_100, %get3A_82, %broadcast_in_dim3A_126 : vector<1x128xi1>, vector<1x128xf32>
        %reduce_sum3A_128 = arith.constant dense<0.000000e+00> : vector<1xf32>
        %reduce_sum3A_129 = vector.multi_reduction <add>, %select_n3A_127, %reduce_sum3A_128 [1] : vector<1x128xf32> to vector<1xf32>
        %broadcast_in_dim3A_130 = vector.shape_cast %reduce_sum3A_129 : vector<1xf32> to vector<1x1xf32>
        %sub3A = arith.subf %broadcast_in_dim3A_124, %broadcast_in_dim3A_112 : vector<1x1xf32>
        %sub3A_131 = arith.subf %broadcast_in_dim3A_130, %broadcast_in_dim3A_118 : vector<1x1xf32>
        %mul3A_132 = arith.mulf %sub3A, %sub3A_131 : vector<1x1xf32>
        %mul3A_133 = arith.constant 128 : i32
        %mul3A_134 = arith.muli %add3A_70, %mul3A_133 : i32
        %add3A_135 = arith.addi %mul3A_134, %scan3A_98 : i32
        %max3A = vector.broadcast %broadcast_in_dim3A_112 : vector<1x1xf32> to vector<1x128xf32>
        %max3A_136 = arith.maximumf %max3A, %get3A_73 : vector<1x128xf32>
        %max3A_137 = vector.broadcast %broadcast_in_dim3A_118 : vector<1x1xf32> to vector<1x128xf32>
        %max3A_138 = arith.maximumf %max3A_137, %get3A_76 : vector<1x128xf32>
        %min3A = vector.broadcast %broadcast_in_dim3A_124 : vector<1x1xf32> to vector<1x128xf32>
        %min3A_139 = arith.minimumf %min3A, %get3A_79 : vector<1x128xf32>
        %min3A_140 = vector.broadcast %broadcast_in_dim3A_130 : vector<1x1xf32> to vector<1x128xf32>
        %min3A_141 = arith.minimumf %min3A_140, %get3A_82 : vector<1x128xf32>
        %sub3A_142 = arith.subf %min3A_139, %max3A_136 : vector<1x128xf32>
        %max3A_143 = arith.constant 0.000000e+00 : f32
        %max3A_144 = vector.broadcast %max3A_143 : f32 to vector<1x128xf32>
        %max3A_145 = arith.maximumf %sub3A_142, %max3A_144 : vector<1x128xf32>
        %sub3A_146 = arith.subf %min3A_141, %max3A_138 : vector<1x128xf32>
        %max3A_147 = arith.constant 0.000000e+00 : f32
        %max3A_148 = vector.broadcast %max3A_147 : f32 to vector<1x128xf32>
        %max3A_149 = arith.maximumf %sub3A_146, %max3A_148 : vector<1x128xf32>
        %mul3A_150 = arith.mulf %max3A_145, %max3A_149 : vector<1x128xf32>
        %add3A_151 = vector.broadcast %mul3A_132 : vector<1x1xf32> to vector<1x128xf32>
        %add3A_152 = arith.addf %add3A_151, %get3A_85 : vector<1x128xf32>
        %sub3A_153 = arith.subf %add3A_152, %mul3A_150 : vector<1x128xf32>
        %div3A = arith.divf %mul3A_150, %sub3A_153 : vector<1x128xf32>
        %gt3A = vector.broadcast %get3A_11 : f32 to vector<1x128xf32>
        %gt3A_154 = arith.cmpf ogt, %div3A, %gt3A : vector<1x128xf32>
        %gt3A_155 = vector.broadcast %scan3A_98 : i32 to vector<1x128xi32>
        %gt3A_156 = arith.cmpi sgt, %iota3A_12, %gt3A_155 : vector<1x128xi32>
        %and3A = arith.andi %gt3A_154, %gt3A_156 : vector<1x128xi1>
        %and3A_157 = vector.broadcast %lt3A_107 : vector<1x1xi1> to vector<1x128xi1>
        %and3A_158 = arith.andi %and3A, %and3A_157 : vector<1x128xi1>
        %jit3A_159 = arith.constant 1.000000e+00 : f32
        %broadcast_in_dim3A_160 = vector.broadcast %jit3A_159 : f32 to vector<1x128xf32>
        %select_n3A_161 = arith.select %and3A_158, %broadcast_in_dim3A_160, %scan3A_99 : vector<1x128xi1>, vector<1x128xf32>
        %get3A_162 = arith.constant 120 : index
        %get3A_163 = arith.constant 0 : index
        %get3A_164 = vector.load %arg1[%get3A_162, %get3A_163] : memref<160x128xf32, #tpu.memory_space<vmem>>, vector<40x128xf32>
        %get3A_165 = arith.constant 120 : index
        %get3A_166 = arith.constant 0 : index
        %get3A_167 = vector.load %arg2[%get3A_165, %get3A_166] : memref<160x128xf32, #tpu.memory_space<vmem>>, vector<40x128xf32>
        %get3A_168 = arith.constant 120 : index
        %get3A_169 = arith.constant 0 : index
        %get3A_170 = vector.load %arg3[%get3A_168, %get3A_169] : memref<160x128xf32, #tpu.memory_space<vmem>>, vector<40x128xf32>
        %get3A_171 = arith.constant 120 : index
        %get3A_172 = arith.constant 0 : index
        %get3A_173 = vector.load %arg4[%get3A_171, %get3A_172] : memref<160x128xf32, #tpu.memory_space<vmem>>, vector<40x128xf32>
        %get3A_174 = arith.constant 120 : index
        %get3A_175 = arith.constant 0 : index
        %get3A_176 = vector.load %arg5[%get3A_174, %get3A_175] : memref<160x128xf32, #tpu.memory_space<vmem>>, vector<40x128xf32>
        %max3A_177 = vector.broadcast %broadcast_in_dim3A_112 : vector<1x1xf32> to vector<40x128xf32>
        %max3A_178 = arith.maximumf %max3A_177, %get3A_164 : vector<40x128xf32>
        %max3A_179 = vector.broadcast %broadcast_in_dim3A_118 : vector<1x1xf32> to vector<40x128xf32>
        %max3A_180 = arith.maximumf %max3A_179, %get3A_167 : vector<40x128xf32>
        %min3A_181 = vector.broadcast %broadcast_in_dim3A_124 : vector<1x1xf32> to vector<40x128xf32>
        %min3A_182 = arith.minimumf %min3A_181, %get3A_170 : vector<40x128xf32>
        %min3A_183 = vector.broadcast %broadcast_in_dim3A_130 : vector<1x1xf32> to vector<40x128xf32>
        %min3A_184 = arith.minimumf %min3A_183, %get3A_173 : vector<40x128xf32>
        %sub3A_185 = arith.subf %min3A_182, %max3A_178 : vector<40x128xf32>
        %max3A_186 = arith.constant 0.000000e+00 : f32
        %max3A_187 = vector.broadcast %max3A_186 : f32 to vector<40x128xf32>
        %max3A_188 = arith.maximumf %sub3A_185, %max3A_187 : vector<40x128xf32>
        %sub3A_189 = arith.subf %min3A_184, %max3A_180 : vector<40x128xf32>
        %max3A_190 = arith.constant 0.000000e+00 : f32
        %max3A_191 = vector.broadcast %max3A_190 : f32 to vector<40x128xf32>
        %max3A_192 = arith.maximumf %sub3A_189, %max3A_191 : vector<40x128xf32>
        %mul3A_193 = arith.mulf %max3A_188, %max3A_192 : vector<40x128xf32>
        %add3A_194 = vector.broadcast %mul3A_132 : vector<1x1xf32> to vector<40x128xf32>
        %add3A_195 = arith.addf %add3A_194, %get3A_176 : vector<40x128xf32>
        %sub3A_196 = arith.subf %add3A_195, %mul3A_193 : vector<40x128xf32>
        %div3A_197 = arith.divf %mul3A_193, %sub3A_196 : vector<40x128xf32>
        %gt3A_198 = vector.broadcast %get3A_11 : f32 to vector<40x128xf32>
        %gt3A_199 = arith.cmpf ogt, %div3A_197, %gt3A_198 : vector<40x128xf32>
        %and3A_200 = vector.broadcast %lt3A_107 : vector<1x1xi1> to vector<40x128xi1>
        %and3A_201 = arith.andi %gt3A_199, %and3A_200 : vector<40x128xi1>
        %gt3A_202 = vector.broadcast %add3A_135 : i32 to vector<40x128xi32>
        %gt3A_203 = arith.cmpi sgt, %add3A_56, %gt3A_202 : vector<40x128xi32>
        %and3A_204 = arith.andi %and3A_201, %gt3A_203 : vector<40x128xi1>
        %get3A_205 = arith.constant 120 : index
        %get3A_206 = arith.constant 0 : index
        %get3A_207 = vector.load %arg7[%get3A_205, %get3A_206] : memref<160x128xf32, #tpu.memory_space<vmem>>, vector<40x128xf32>
        %jit3A_208 = arith.constant 1.000000e+00 : f32
        %broadcast_in_dim3A_209 = vector.broadcast %jit3A_208 : f32 to vector<40x128xf32>
        %select_n3A_210 = arith.select %and3A_204, %broadcast_in_dim3A_209, %get3A_207 : vector<40x128xi1>, vector<40x128xf32>
        %swap3A_211 = arith.constant 120 : index
        %swap3A_212 = arith.constant 0 : index
        %swap3A_213 = vector.load %arg7[%swap3A_211, %swap3A_212] : memref<160x128xf32, #tpu.memory_space<vmem>>, vector<40x128xf32>
        tpu.vector_store %arg7[%swap3A_211, %swap3A_212], %select_n3A_210 {strides = array<i32>} : memref<160x128xf32, #tpu.memory_space<vmem>>, vector<40x128xf32>,
        scf.yield %select_n3A_161 : vector<1x128xf32>
      }
      %scan3A_94 = arith.constant 128 : i32
      %swap3A_95 = arith.index_cast %add3A_70 : i32 to index
      %swap3A_96 = arith.constant 0 : index
      %swap3A_97 = vector.load %arg7[%swap3A_95, %swap3A_96] : memref<160x128xf32, #tpu.memory_space<vmem>>, vector<1x128xf32>
      tpu.vector_store %arg7[%swap3A_95, %swap3A_96], %scan3A_93 {strides = array<i32>} : memref<160x128xf32, #tpu.memory_space<vmem>>, vector<1x128xf32>,
    }
    %scan3A_61 = arith.constant 40 : i32
    %get3A_62 = arith.constant 0 : index
    %get3A_63 = arith.constant 0 : index
    %get3A_64 = vector.load %arg7[%get3A_62, %get3A_63] : memref<160x128xf32, #tpu.memory_space<vmem>>, vector<160x128xf32>
    %swap3A_65 = arith.constant 0 : index
    %swap3A_66 = arith.constant 0 : index
    %swap3A_67 = vector.load %arg6[%swap3A_65, %swap3A_66] : memref<160x128xf32, #tpu.memory_space<vmem>>, vector<160x128xf32>
    tpu.vector_store %arg6[%swap3A_65, %swap3A_66], %get3A_64 {strides = array<i32>} : memref<160x128xf32, #tpu.memory_space<vmem>>, vector<160x128xf32>,
    return
  }
}

</mosaic_0001>

<sc_bundles>
// kernel: gather_offload_async_start
scs
__scs_entry_jumppad:
0x0: {  	(pc) =	sbr.rel $0x88, $3  }
0x1: {  	(tag) =	ssettag $0x0;
	lr =	simm.s32 $0x1  }
0x2: {  	[smem:$0x3F9E] =	sst lr;
	_ =	strace $0xD0000000  }
0x3: {  	_ = 	snop  }
0x4: {  	_ = 	snop  }
0x5: {  	_ = 	snop  }
0x6: {  	_ = 	snop  }
0x7: {  	_ = 	snop  }
__scs_overlays_trampoline_lowered:
0x8: {  	[smem:$0x3FAD] =	sst s0  }
0x9: {  	[smem:$0x3FAE] =	sst s1  }
0xa: {  	[smem:$0x3FAF] =	sst s2  }
0xb: {  	[smem:$0x3FB0] =	sst s3  }
0xc: {  	[smem:$0x3FB1] =	sst s4  }
0xd: {  	[smem:$0x3FB2] =	sst s5  }
0xe: {  	[smem:$0x3FB3] =	sst s6  }
0xf: {  	[smem:$0x3FB4] =	sst s7  }
0x10: {  	[smem:$0x3FB5] =	sst s8  }
0x11: {  	[smem:$0x3FB6] =	sst s9;
	s0 =	simm.s32 @!p0 $0x0  }
0x12: {  	s1 =	sld [smem:$0x3F9C];
	s0 =	simm.s32 @p0 $0x1  }
0x13: {  	[smem:$0x3FB7] =	sst s0;
	s0 =	simm.s32 @!p1 $0x0  }
0x14: {  	s2 =	sld [smem:$0x3F9B];
	s0 =	simm.s32 @p1 $0x1  }
0x15: {  	[smem:$0x3FB8] =	sst s0;
	s0 =	simm.s32 @!p2 $0x0  }
0x16: {  	s3 =	sld [smem:$0x3FDB];
	s0 =	simm.s32 @p2 $0x1  }
0x17: {  	s4 =	simm.s32 $0x1BF5;
	[smem:$0x3FBA] =	sst s0  }
0x18: {  	s0 =	sld [smem:$0x3F9D];
	_ =	swait.ge [sflag:s4], $0x0  }
0x19: {  	s7 =	sld [smem:$0x3F9E]  }
0x1a: {  	s8 =	sadd.s32 $0xFFFFE003, lr  }
0x1b: {  	s9 =	sadd.s32 $0xFFFFFEF7, lr;
	s5 =	simm.s32 $0xFFFFFFFF;
	p2 =	slt.u32 s8, $0xFFFFF086  }
0x1c: {  	p1 =	slt.u32 s9, $0xF7A;
	s5 =	simm.s32 @!p2 $0x0  }
0x1d: {  	s5 =	simm.s32 @p1 $0x1;
	p0 =	seq.s32 s7, s2  }
0x1e: {  	s7 =	smul.u32 @!p0 $0xF7A, s2;
	p2 =	seq.s32 @!p0 s5, $0x0  }
0x1f: {  	s9 =	smul.u32 $0xF7A, s1;
	s8 =	simm.s32 @!p0 $0x1BF5;
	p2 =	por !p2, p0  }
0x20: {  	[sflag:s8] =	ssyncset.s32 @!p0 $0xFFFFF086;
	s6 =	sadd.s32 @!p0 s3, s7;
	s7 =	simm.s32 @!p0 $0x108  }
0x21: {  	s3 =	sadd.s32 s3, s9;
	s6 =	sadd.s32 @!p0 $0x88, s6;
	s7 =	simm.s32 @p2 $0x1082  }
0x22: {  	[simem:s7], [sflag:s8] =	dma.local @!p0 [hbm:s6], $0xF7A  }
0x23: {  	s9 =	sor.u32 $0xD0000000, s2;
	s6 =	simm.s32 $0x108;
	_ =	swait.ge @!p0 [sflag:s8], $0x0  }
0x24: {  	s3 =	sadd.s32 $0x88, s3;
	s6 =	simm.s32 @!p1 $0x1082;
	[sflag:s4] =	ssyncset.s32 $0xFFFFF086  }
0x25: {  	[simem:s6], [sflag:s4] =	dma.local [hbm:s3], $0xF7A  }
0x26: {  	[smem:$0x3F9E] =	sst s1;
	(tag) =	ssettag s2;
	_ =	strace s9  }
0x27: {  	s1 =	sld [smem:$0x3FAE]  }
0x28: {  	s2 =	sld [smem:$0x3FAF]  }
0x29: {  	s4 =	sld [smem:$0x3FB1]  }
0x2a: {  	p0 =	seq.s32 s5, $0x0;
	s5 =	sld [smem:$0x3FB2]  }
0x2b: {  	s6 =	sld [smem:$0x3FB3]  }
0x2c: {  	s7 =	sld [smem:$0x3FB4]  }
0x2d: {  	s3 =	simm.s32 $0x108;
	s8 =	sld [smem:$0x3FB5]  }
0x2e: {  	s3 =	simm.s32 @!p0 $0x1082;
	s9 =	sld [smem:$0x3FB6]  }
0x2f: {  	lr =	sadd.s32 s0, s3;
	s0 =	sld [smem:$0x3FAD]  }
0x30: {  	s3 =	sld [smem:$0x3FB0]  }
0x31: {  	[smem:$0x3FB9] =	sst s10  }
0x32: {  	s10 =	sld [smem:$0x3FB7];
	_ =	sdelay $0x3  }
0x33: {  	p0 =	seq.s32 s10, $0x1;
	s10 =	sld [smem:$0x3FB9];
	_ =	sdelay $0x3  }
0x34: {  	[smem:$0x3FB9] =	sst s10  }
0x35: {  	s10 =	sld [smem:$0x3FB8];
	_ =	sdelay $0x3  }
0x36: {  	p1 =	seq.s32 s10, $0x1;
	s10 =	sld [smem:$0x3FB9];
	_ =	sdelay $0x3  }
0x37: {  	[smem:$0x3FB9] =	sst s10  }
0x38: {  	s10 =	sld [smem:$0x3FBA]  }
0x39: {  	_ = 	snop;
	(pc) =	sbr.ind lr, $3  }
0x3a: {  	_ = 	snop  }
0x3b: {  	_ = 	snop  }
0x3c: {  	p2 =	seq.s32 s10, $0x1;
	s10 =	sld [smem:$0x3FB9]  }
0x3d: {  	_ =	shalt  }
0x3e: {  	_ =	shalt  }
0x3f: {  	_ =	shalt  }
0x40: {  	_ =	shalt  }
0x41: {  	_ =	shalt  }
0x42: {  	_ =	shalt  }
0x43: {  	_ =	shalt  }
0x44: {  	_ =	shalt  }
0x45: {  	_ =	shalt  }
0x46: {  	_ =	shalt  }
0x47: {  	_ =	shalt  }
0x48: {  	_ =	shalt  }
0x49: {  	_ =	shalt  }
0x4a: {  	_ =	shalt  }
0x4b: {  	_ =	shalt  }
0x4c: {  	_ =	shalt  }
0x4d: {  	_ =	shalt  }
0x4e: {  	_ =	shalt  }
0x4f: {  	_ =	shalt  }
0x50: {  	_ =	shalt  }
0x51: {  	_ =	shalt  }
0x52: {  	_ =	shalt  }
0x53: {  	_ =	shalt  }
0x54: {  	_ =	shalt  }
0x55: {  	_ =	shalt  }
0x56: {  	_ =	shalt  }
0x57: {  	_ =	shalt  }
0x58: {  	_ =	shalt  }
0x59: {  	_ =	shalt  }
0x5a: {  	_ =	shalt  }
0x5b: {  	_ =	shalt  }
0x5c: {  	_ =	shalt  }
0x5d: {  	_ =	shalt  }
0x5e: {  	_ =	shalt  }
0x5f: {  	_ =	shalt  }
0x60: {  	_ =	shalt  }
0x61: {  	_ =	shalt  }
0x62: {  	_ =	shalt  }
0x63: {  	_ =	shalt  }
0x64: {  	_ =	shalt  }
0x65: {  	_ =	shalt  }
0x66: {  	_ =	shalt  }
0x67: {  	_ =	shalt  }
0x68: {  	_ =	shalt  }
0x69: {  	_ =	shalt  }
0x6a: {  	_ =	shalt  }
0x6b: {  	_ =	shalt  }
0x6c: {  	_ =	shalt  }
0x6d: {  	_ =	shalt  }
0x6e: {  	_ =	shalt  }
0x6f: {  	_ =	shalt  }
0x70: {  	_ =	shalt  }
0x71: {  	_ =	shalt  }
0x72: {  	_ =	shalt  }
0x73: {  	_ =	shalt  }
0x74: {  	_ =	shalt  }
0x75: {  	_ =	shalt  }
0x76: {  	_ =	shalt  }
0x77: {  	_ =	shalt  }
0x78: {  	_ =	shalt  }
0x79: {  	_ =	shalt  }
0x7a: {  	_ =	shalt  }
0x7b: {  	_ =	shalt  }
0x7c: {  	_ =	shalt  }
0x7d: {  	_ =	shalt  }
0x7e: {  	_ =	shalt  }
0x7f: {  	_ =	shalt  }
0x80: {  	_ =	shalt  }
0x81: {  	_ =	shalt  }
0x82: {  	_ =	shalt  }
0x83: {  	_ =	shalt  }
0x84: {  	_ =	shalt  }
0x85: {  	_ =	shalt  }
0x86: {  	_ =	shalt  }
0x87: {  	_ =	shalt  }
.Lfunc_end0:
.L_simem_size_0:
called_computation_lowered:
.L_overlay_start_0:
0x88: {  	s2 =	sld [smem:$0x3FD9]  }
0x89: {  	s3 =	sld [smem:$0x3FFE];
	_ =	sdelay $0x1  }
0x8a: {  	s1 =	srdreg.scid  }
0x8b: {  	s0 =	sand.u32 $0x1, s1  }
0x8c: {  	s16 =	sshll.u32 s0, $0xA;
	s2 =	sadd.s32 s3, s2  }
0x8d: {  	s2 =	sadd.s32 s2, s16  }
0x8e: {  	[smem:$0x3FC5] =	sst s2  }
0x8f: {  	_ = 	snop  }
0x90: {  	(tm) =	ssettm $0x1  }
0x91: {  	s17 =	sld [smem:$0x3FFB];
	_ =	sdelay $0x3  }
0x92: {  	_ =	strace s17  }
0x93: {  	s2 =	sld [smem:$0x3FFC];
	_ =	sdelay $0x3  }
0x94: {  	_ =	strace s2  }
0x95: {  	s2 =	sld [smem:$0x3FFD];
	_ =	sdelay $0x3  }
0x96: {  	_ =	strace s2  }
0x97: {  	_ =	strace $0x8FFFFFFF  }
0x98: {  	s18 =	sld [smem:$0x3FDB];
	_ =	sdelay $0x1  }
0x99: {  	s19 =	simm.s32 $_scs_section_size  }
0x9a: {  	s4 =	simm.s32 $_size__tile_overlayer_lowered;
	s5 =	simm.s32 $_tile_overlayer_lowered  }
0x9b: {  	s22 =	simm.s32 $0x1BFF;
	s21 =	sshll.u32 s5, $0x1;
	s2 =	sadd.s32 s19, s18  }
0x9c: {  	s6 =	simm.s32 $0x0;
	s20 =	sshll.u32 s4, $0x1;
	s4 =	sadd.s32 s21, s2  }
0x9d: {  	[timem:s6], [sflag:s22] =	dma.local [hbm:s4], s20  }
0x9e: {  	_ =	swait.ge [sflag:s22], s20  }
0x9f: {  	s3 =	ssub.s32 $0x0, s20;
	[sflag:s22] =	ssyncset.done $0x0  }
0xa0: {  	[sflag:s22] =	ssyncadd.s32 s3;
	_ =	sdelay $0x1  }
0xa1: {  	s23 =	simm.s32 $0x1B8B  }
0xa2: {  	_ =	swait.ge [sflag:s23], $0x1  }
0xa3: {  	[sflag:s23] =	ssyncset.done $0x0  }
0xa4: {  	s25 =	simm.s32 $0x1B8E;
	s24 =	sld [smem:$0x3FFE];
	[sflag:s23] =	ssyncadd.s32 $0xFFFFFFFF  }
0xa5: {  	s26 =	simm.s32 $execute0_lowered;
	[smem:$0x3FD2] =	sst s25  }
0xa6: {  	s4 =	sshll.u32 s26, $0x1;
	_ =	strace $0x80000046;
	[dreg:$0x1] =	wrdreg $0xFFFFFFFF  }
0xa7: {  	s28 =	simm.s32 $_size_execute0_lowered;
	s2 =	sadd.s32 s2, s4;
	[dreg:$0x0] =	wrdreg $0x0  }
0xa8: {  	s4 =	sshll.u32 s28, $0x1;
	[dreg:$0x2] =	wrdreg s2  }
0xa9: {  	[dreg:$0x3] =	wrdreg s4  }
0xaa: {  	[dreg:$0x4] =	wrdreg $0xC0  }
0xab: {  	_ =	task [dreg:s6], $0x5FFFF  }
0xac: {  	[dreg:$0x1] =	wrdreg $0xFFFFFFFF  }
0xad: {  	[dreg:$0x0] =	wrdreg $0x60  }
0xae: {  	[dreg:$0x2] =	wrdreg s24  }
0xaf: {  	[dreg:$0x3] =	wrdreg $0x9  }
0xb0: {  	_ =	task.clear_ibuf [dreg:s6], $0x4FFFF;
	_ =	strace $0x90000046  }
0xb1: {  	s29 =	simm.s32 $0x9;
	_ =	strace $0x80000048  }
0xb2: {  	_ =	swait.ge [sflag:s29], $0x1  }
0xb3: {  	[sflag:s29] =	ssyncadd.s32 $0xFFFFFFFF  }
0xb4: {  	_ =	strace $0x90000048  }
0xb5: {  	_ =	sfence  }
0xb6: {  	s30 =	sld [smem:$0x0];
	_ =	sdelay $0x2  }
0xb7: {  	s31 =	sshll.u32 s1, $0xD;
	s1 =	sshrl.u32 s1, $0x2  }
0xb8: {  	s3 =	sand.u32 $0x4000, s31;
	s1 =	sadd.s32 s1, s30  }
0xb9: {  	s0 =	sor.u32 s3, s0;
	s1 =	sshll.u32 s1, $0x11  }
0xba: {  	s0 =	sor.u32 s1, s0  }
0xbb: {  	s0 =	sadd.s32 $0x8F2B, s0  }
0xbc: {  	[sflag:s0] =	ssyncadd.remote.s32 $0x1  }
0xbd: {  	_ =	sfence.sel $0xFFFF  }
0xbe: {  	[dreg:$0x0] =	wrdreg $0xFFFFFFFF;
	(pc) =	sbr.abs _section_cstart, $3  }
0xbf: {  	[dreg:$0x1] =	wrdreg $0xFFFFFFFF  }
0xc0: {  	_ =	task.clear_ibuf [dreg:s6], $0x2FFFF;
	_ =	strace $0x9FFFFFFF  }
0xc1: {  	(tm) =	ssettm $0x7FFFFFFF  }
tec
execute0_lowered:
.L_overlay_start_1:
0x0: {  	(tag) =	ssettag $0x1  }
0x1: {  	s0 =	srdreg.scid  }
0x2: {  	s1 =	sshll.u32 s0, $0x4  }
0x3: {  	s0 =	stileid.u32;
	s1 =	sand.u32 $0x10, s1  }
0x4: {  	s2 =	sor.u32 s0, s1  }
0x5: {  	s1 =	smin.u32 s2, $0x12  }
0x6: {  	s1 =	sadd.s32 s2, s1  }
0x7: {  	p0 =	slt.u32 s2, $0x12;
	s2 =	simm.s32 $0x320;
	s1 =	smul.u32 $0x190, s1  }
0x8: {  	s2 =	simm.s32 @!p0 $0x190  }
0x9: {  	s2 =	sadd.s32 s2, s1  }
0xa: {  	s3 =	smin.u32 s2, $0x4E20  }
0xb: {  	s7 =	ssub.s32 s3, s1  }
0xc: {  	p0 =	sgt.s32 s7, $0x0  }
0xd: {  	s7 =	simm.s32 @!p0 $0x0  }
0xe: {  	s31 =	sand.u32 $0xFFF0, s7  }
0xf: {  	s2 =	sshrl.u32 s31, $0x4  }
0x10: {  	s2 =	smul.u32 $0xA3E, s2  }
0x11: {  	s4 =	rddreg [dreg:$0x0];
	s6 =	simm.s32 $0x1  }
0x12: {  	s10 =	simm.s32 $0x3;
	s13 =	simm.s32 $0x0;
	s8 =	sshrl.u32 s2, $0x10  }
0x13: {  	s12 =	simm.s32 $0x0;
	s5 =	sadd.s32 $0x4E200, s4;
	s9 =	smul.u32 $0x190, s8  }
.Ltmp0:
0x14: {  	s11 =	smov.u32 s1;
	s2 =	rddreg [dreg:$0x1];
	(pc) =	sbr.rel .LBB2_1-.Ltmp0, $4  }
0x15: {  	_ =	strace $0x80000047;
	p0 =	sne.s32 s7, s9;
	s9 =	simm.s32 $0x1  }
0x16: {  	[sflag:s6] =	ssyncpa.u1 $0x0;
	s7 =	simm.s32 $0x2;
	s9 =	simm.s32 @!p0 $0x0  }
0x17: {  	[sflag:s7] =	ssyncpa.u1 $0x0;
	p0 =	por $0x0, $0x0;
	s8 =	sadd.s32 s8, s9  }
0x18: {  	vm0 =	vmmov $0xff;
	vm1 =	vcmask $0x3F20;
	s9 =	sadd.s32 $0x4EC00, s4;
	[sflag:s10] =	ssyncpa.u1 $0x0;
	s10 =	sadd.s32 $0x1, s8  }
.LBB2_6:
0x19: {  	[hbm:s17] =	stream.linear.scatter [tilespmem:s14], [sflag:$0x3], $0x400, $0x38;
	[tilespmem:$0x19320] =	vst v63  }
.LBB2_7:
0x1a: {  	s13 =	sadd.s32 $0x190, s11  }
0x1b: {  	s15 =	smov.u32 s1;
	p2 =	slt.s32 s13, s3  }
0x1c: {  	s15 =	smov.u32 @p2 s13;
	p2 =	sne.s32 s12, s10  }
.Ltmp1:
0x1d: {  	p1 =	slt.u32 s12, $0x2;
	(pc) =	sbr.rel @!p2 .LBB2_8-.Ltmp1, $4  }
0x1e: {  	s14 =	simm.s32 @!p1 $0x3  }
0x1f: {  	s16 =	sadd.s32 $0x1, s12;
	_ =	swait.ge @!p1 [sflag:s14], $0xC800  }
0x20: {  	p0 =	por !p0, !p0;
	s13 =	smov.u32 s11;
	[sflag:s14] =	ssyncset.done @!p1 $0x0  }
0x21: {  	s12 =	smov.u32 s16;
	s11 =	smov.u32 s15;
	[sflag:s14] =	ssyncadd.s32 @!p1 $0xFFFF3800  }
.LBB2_1:
0x22: {  	p1 =	sge.u32 s12, s8  }
0x23: {  	s14 =	sxor.u32 @!p1 $0xFFFFFFFF, s12  }
0x24: {  	s14 =	sand.u32 @!p1 $0x1, s14  }
0x25: {  	s14 =	smul.u32 @!p1 $0x640, s14  }
0x26: {  	s31 =	sadd.s32 $0xFFFFFFFF, s12;
	s15 =	sshrl.u32 @!p1 s11, $0x3  }
0x27: {  	s16 =	sand.u32 @!p1 $0x7, s11;
	s15 =	sadd.s32 @!p1 s5, s15;
	s14 =	sshrl.u32 @!p1 s14, $0x2  }
0x28: {  	[tilespmem:s14], [sflag:$0x2] =	stream.linear.gather @!p1 [hbm4b:s15+s16], $0x190, $0x38;
	[tilespmem:$0x19320] =	vst v63  }
0x29: {  	p1 =	sge.u32 s31, s8  }
.Ltmp2:
0x2a: {  	_ = 	snop;
	(pc) =	sbr.rel @p1 .LBB2_7-.Ltmp2, $1  }
0x2b: {  	_ =	sdelay $0x3  }
0x2c: {  	s14 =	simm.s32 $0x1  }
0x2d: {  	s14 =	simm.s32 @!p0 $0x0  }
0x2e: {  	s15 =	smul.u32 $0x640, s14  }
0x2f: {  	_ =	swait.ge [sflag:s7], $0x190  }
0x30: {  	[sflag:s7] =	ssyncset.done $0x0;
	s16 =	sshrl.u32 s15, $0x2  }
0x31: {  	[sflag:s7] =	ssyncadd.s32 $0xFFFFFE70;
	s15 =	sadd.s32 $0x0, s16  }
0x32: {  	v0 =	vld.msk [tilespmem:s15+$0x0 ss:$0x1], $0xffff;
	_ =	sdelay $0x4  }
0x33: {  	vm2 =	vgt.s32 v0, $0x0  }
0x34: {  	v0 =	vnsel vm2, $0x0, v0  }
0x35: {  	v0 =	vmin.u32 v0, $0x4E1F  }
0x36: {  	v0 =	vshll.u32 v0, $0x4  }
0x37: {  	s14 =	smul.u32 $0x32000, s14;
	_ =	sdelay $0x1  }
0x38: {  	s14 =	sshrl.u32 s14, $0x2  }
0x39: {  	s14 =	sor.u32 $0x320, s14  }
0x3a: {  	[tilespmem:s14], [sflag:$0x1] =	stream.indirect_vreg.gather [hbm:s4], $0x80, v0, vm0, $0x38;
	[tilespmem:$0x19320] =	vst v63  }
0x3b: {  	s17 =	sadd.s32 $0x10, s16;
	s15 =	sadd.s32 $0x400, s14  }
0x3c: {  	[tilespmem:s15], [sflag:$0x1] =	stream.indirect_vreg.gather [hbm:s4], $0x80, v0, vm1, $0x38;
	[tilespmem:$0x19320] =	vst v63  }
0x3d: {  	s18 =	simm.s32 $0x80;
	v0 =	vld.msk [tilespmem:s17+$0x0 ss:$0x1], $0xffff;
	s17 =	smov.u32 s14  }
.LBB2_3:
0x3e: {  	p1 =	sne.s32 s18, $0x600;
	_ =	sdelay $0x4  }
0x3f: {  	vm2 =	vgt.s32 v0, $0x0  }
0x40: {  	v0 =	vnsel vm2, $0x0, v0  }
0x41: {  	v0 =	vmin.u32 v0, $0x4E1F  }
0x42: {  	v0 =	vshll.u32 v0, $0x4;
	_ =	sdelay $0x3  }
.Ltmp3:
0x43: {  	s19 =	sshra.s32 s18, $0x2;
	s17 =	sadd.s32 $0x800, s17;
	(pc) =	sbr.rel @p1 .LBB2_3-.Ltmp3, $4  }
0x44: {  	[tilespmem:s17], [sflag:$0x1] =	stream.indirect_vreg.gather [hbm:s4], $0x80, v0, vm0, $0x38;
	[tilespmem:$0x19320] =	vst v63  }
0x45: {  	s19 =	sadd.s32 s19, s16;
	s20 =	sadd.s32 $0x400, s17  }
0x46: {  	[tilespmem:s20], [sflag:$0x1] =	stream.indirect_vreg.gather [hbm:s4], $0x80, v0, vm1, $0x38;
	[tilespmem:$0x19320] =	vst v63  }
0x47: {  	s18 =	sadd.s32 $0x40, s18;
	v0 =	vld.msk [tilespmem:s19+$0x0 ss:$0x1], $0xffff  }
0x48: {  	_ =	sdelay $0x3  }
0x49: {  	vm2 =	vgt.s32 v0, $0x0  }
0x4a: {  	v0 =	vnsel vm2, $0x0, v0  }
0x4b: {  	v0 =	vmin.u32 v0, $0x4E1F  }
0x4c: {  	v0 =	vshll.u32 v0, $0x4;
	_ =	sdelay $0x3  }
0x4d: {  	s16 =	sadd.s32 $0x800, s17  }
0x4e: {  	[tilespmem:s16], [sflag:$0x1] =	stream.indirect_vreg.gather [hbm:s4], $0x80, v0, vm0, $0x38;
	[tilespmem:$0x19320] =	vst v63  }
0x4f: {  	s16 =	sadd.s32 $0x400, s16  }
0x50: {  	[tilespmem:s16], [sflag:$0x1] =	stream.indirect_vreg.gather [hbm:s4], $0x80, v0, vm1, $0x38;
	[tilespmem:$0x19320] =	vst v63  }
0x51: {  	s13 =	sshll.u32 s13, $0x4;
	_ =	swait.ge [sflag:s6], $0xC800  }
0x52: {  	s13 =	sadd.s32 s13, s9;
	[sflag:s6] =	ssyncset.done $0x0  }
0x53: {  	s17 =	sadd.s32 $0x0, s13;
	s16 =	simm.s32 $0x80;
	[sflag:s6] =	ssyncadd.s32 $0xFFFF3800  }
.LBB2_5:
0x54: {  	[hbm:s17] =	stream.linear.scatter [tilespmem:s14], [sflag:$0x3], $0x400, $0x38;
	[tilespmem:$0x19320] =	vst v63  }
0x55: {  	s17 =	smov.u32 s16;
	s14 =	smov.u32 s15;
	p1 =	sne.s32 s16, $0x1880  }
.Ltmp4:
0x56: {  	s16 =	sadd.s32 $0x80, s16;
	(pc) =	sbr.rel @p1 .LBB2_5-.Ltmp4, $2  }
0x57: {  	_ =	sdelay $0x2  }
0x58: {  	s15 =	sadd.s32 $0x400, s15;
	s17 =	sadd.s32 s17, s13  }
.Ltmp5:
0x59: {  	_ = 	snop;
	(pc) =	sbr.rel .LBB2_6-.Ltmp5, $1  }
0x5a: {  	_ =	sdelay $0x3  }
.LBB2_8:
0x5b: {  	_ =	sfence.sel $0x180000  }
0x5c: {  	s1 =	simm.s32 $0x2;
	[bflag:$0x0] =	sbarrier.arrive $0xFFFF  }
0x5d: {  	s30 =	simm.s32 $0x3;
	[sflag:s1] =	ssyncpa.u1 $0x1  }
0x5e: {  	s31 =	simm.s32 $0x1;
	[sflag:s30] =	ssyncpa.u1 $0x1  }
0x5f: {  	[sflag:s31] =	ssyncpa.u1 $0x1  }
0x60: {  	p0 =	sne.s32 s0, $0x0;
	_ =	strace $0x90000047  }
0x61: {  	s0 =	sadd.s32 @!p0 $0x100000, s2;
	[bflag:$0x2] =	sbarrier.arrive $0xFFFF  }
0x62: {  	[sflag:s0] =	ssyncadd.tile.s32 @!p0 $0x1;
	_ =	shalt  }
.Lfunc_end2:
_tile_overlayer_lowered:
.L_overlay_start_2:
0x63: {  	(tag) =	ssettag $0x2  }
0x64: {  	s0 =	rddreg [dreg:$0x0];
	s2 =	stileid.u32  }
0x65: {  	s1 =	rddreg [dreg:$0x1];
	p0 =	sne.s32 s2, $0x0  }
0x66: {  	s3 =	rddreg [dreg:$0x2];
	[bflag:$0x3] =	sbarrier.arrive $0xFFFF;
	s2 =	simm.s32 @!p0 $0x1C01  }
0x67: {  	[timem:s3], [sflag:s2] =	dma.local @!p0 [hbm:s0], s1  }
0x68: {  	s0 =	simm.s32 @!p0 $0x1  }
0x69: {  	_ =	swait.ge @!p0 [sflag:s0], s1  }
0x6a: {  	s1 =	ssub.s32 @!p0 $0x0, s1;
	[sflag:s0] =	ssyncset.done @!p0 $0x0  }
0x6b: {  	[sflag:s0] =	ssyncadd.s32 @!p0 s1  }
0x6c: {  	[bflag:$0x3] =	sbarrier.arrive $0xFFFF  }
0x6d: {  	_ =	shalt  }

</sc_bundles>
